<compile_context>
chip_gen: v7x
topology: tpu7x:2x2x1
jax: 0.10.2.dev20260603
libtpu: 0.0.44.dev20260713+nightly
codegen_flags: <defaults>
</compile_context>

<pallas_src>
import jax
import jax.numpy as jnp
from jax import lax
from jax.experimental import pallas as pl
from jax.experimental.pallas import tpu as pltpu
from jax.experimental.pallas import tpu_sc as plsc

N = 10000
E = 320000
DIN = 128
DOUT = 128
R = 8
NB = 4

NPAD = 10240
NPLANES = R + 2
NC = 2
NS = 16
NW = NC * NS
EPW = 10240
EPAD = NW * EPW
CHUNK = 64
NCHUNK = EPW // CHUNK
NBUF = 2
NCHT = EPAD // CHUNK
CPT0 = 288
CPT1 = 32
ROWS_PER_TILE = NPAD // NS



_BLK = 1024


def _transform_body(wc_ref, wext_ref, x_ref, out_ref):
    r = pl.program_id(0)
    w = wc_ref[r, 0] * wext_ref[0]
    for b in range(1, NB + 1):
        w += wc_ref[r, b] * wext_ref[b]
    out_ref[0] = jnp.dot(x_ref[...], w, preferred_element_type=jnp.float32)


def _transform(xpad, w_ext, wc_ext):
    return pl.pallas_call(
        _transform_body,
        grid=(NPLANES, NPAD // _BLK),
        in_specs=[
            pl.BlockSpec(memory_space=pltpu.SMEM),
            pl.BlockSpec((NB + 1, DIN, DOUT), lambda r, j: (0, 0, 0)),
            pl.BlockSpec((_BLK, DIN), lambda r, j: (j, 0)),
        ],
        out_specs=pl.BlockSpec((1, _BLK, DOUT), lambda r, j: (r, j, 0)),
        out_shape=jax.ShapeDtypeStruct((NPLANES, NPAD, DOUT), jnp.float32),
    )(wc_ext, w_ext, xpad)




def _pack_body(t_ref, s_ref, d_ref, o_ref):
    g = t_ref[...] * NPAD + s_ref[...]
    blk = g.shape[0]
    o_ref[...] = jnp.concatenate(
        [g.reshape(blk, 1, CHUNK), d_ref[...].reshape(blk, 1, CHUNK)], axis=1)


def _pack_indices(t2, s2, d2):
    nch = EPAD // CHUNK
    blk = 256
    return pl.pallas_call(
        _pack_body,
        grid=(nch // blk,),
        in_specs=[
            pl.BlockSpec((blk, CHUNK), lambda i: (i, 0)),
            pl.BlockSpec((blk, CHUNK), lambda i: (i, 0)),
            pl.BlockSpec((blk, CHUNK), lambda i: (i, 0)),
        ],
        out_specs=pl.BlockSpec((blk, 2, CHUNK), lambda i: (i, 0, 0)),
        out_shape=jax.ShapeDtypeStruct((nch, 2, CHUNK), jnp.int32),
    )(t2, s2, d2)




def _sc_body(table_hbm, idx4_hbm, zeros_hbm,
             p0_hbm, p1_hbm,
             acc, idx_v, rows_v, *sems):
    c = lax.axis_index("c")
    s = lax.axis_index("s")

    row0 = s * ROWS_PER_TILE
    pltpu.sync_copy(
        table_hbm.at[pl.ds((R + c) * NPAD + row0, ROWS_PER_TILE)],
        acc.at[pl.ds(row0, ROWS_PER_TILE)])

    plsc.subcore_barrier()

    isem = sems[:NBUF]
    gsem = sems[NBUF:]

    def pipeline(count, base):
        def start_idx(ci, b):
            pltpu.async_copy(idx4_hbm.at[base + ci], idx_v.at[b], isem[b])

        def wait_idx(ci, b):
            pltpu.make_async_copy(idx4_hbm.at[base + ci], idx_v.at[b],
                                  isem[b]).wait()

        def start_gather(b):
            pltpu.async_copy(table_hbm.at[idx_v.at[b, 0]], rows_v.at[b],
                             gsem[b])

        def wait_gather(b):
            pltpu.make_async_copy(table_hbm.at[idx_v.at[b, 0]],
                                  rows_v.at[b], gsem[b]).wait()

        for b in range(NBUF):
            start_idx(b, b)
        for b in range(NBUF - 1):
            wait_idx(b, b)
            start_gather(b)

        def phase(ci, b):
            bn = (b + NBUF - 1) % NBUF
            wait_idx(ci + NBUF - 1, bn)
            start_gather(bn)
            wait_gather(b)
            pltpu.sync_copy(rows_v.at[b], acc.at[idx_v.at[b, 1]], add=True)
            start_idx(ci + NBUF, b)

        def group_body(g, carry):
            for b in range(NBUF):
                phase(g * NBUF + b, b)
            return carry

        lax.fori_loop(0, count // NBUF, group_body, 0)
        for b in range(NBUF - 1):
            wait_gather(b)
        wait_idx(count + NBUF - 1, NBUF - 1)

    @pl.when(c == 0)
    def _():
        pipeline(CPT0, s * CPT0)

    @pl.when(c != 0)
    def _():
        pipeline(CPT1, NS * CPT0 + s * CPT1)

    plsc.subcore_barrier()

    @pl.when(c == 0)
    def _():
        pltpu.sync_copy(acc.at[pl.ds(row0, ROWS_PER_TILE)],
                        p0_hbm.at[pl.ds(row0, ROWS_PER_TILE)])

    @pl.when(c != 0)
    def _():
        pltpu.sync_copy(acc.at[pl.ds(row0, ROWS_PER_TILE)],
                        p1_hbm.at[pl.ds(row0, ROWS_PER_TILE)])


def _sc_aggregate(table, idx4, zeros):
    mesh = plsc.VectorSubcoreMesh(core_axis_name="c", subcore_axis_name="s",
                                  num_cores=NC, num_subcores=NS)
    f = pl.kernel(
        _sc_body,
        out_type=[
            jax.ShapeDtypeStruct((NPAD, DOUT), jnp.float32),
            jax.ShapeDtypeStruct((NPAD, DOUT), jnp.float32),
        ],
        mesh=mesh,
        scratch_types=(
            [
                pltpu.VMEM_SHARED((NPAD, DOUT), jnp.float32),
                pltpu.VMEM((NBUF, 2, CHUNK), jnp.int32),
                pltpu.VMEM((NBUF, CHUNK, DOUT), jnp.float32),
            ]
            + [pltpu.SemaphoreType.DMA] * (2 * NBUF)
        ),
    )
    return f(table, idx4, zeros)




def _combine_body(a_ref, b_ref, o_ref):
    o_ref[...] = jnp.maximum(a_ref[...] + b_ref[...], 0.0)


def _combine(p0, p1):
    return pl.pallas_call(
        _combine_body,
        grid=(NPAD // _BLK,),
        in_specs=[
            pl.BlockSpec((_BLK, DOUT), lambda i: (i, 0)),
            pl.BlockSpec((_BLK, DOUT), lambda i: (i, 0)),
        ],
        out_specs=pl.BlockSpec((_BLK, DOUT), lambda i: (i, 0)),
        out_shape=jax.ShapeDtypeStruct((NPAD, DOUT), jnp.float32),
    )(p0, p1)




@jax.jit
def kernel(x, edge_index, edge_type, weight, w_comp, self_loop_weight):
    xpad = jnp.pad(x, ((0, NPAD - N), (0, 0)))
    w_ext = jnp.concatenate([weight, self_loop_weight[None]], axis=0)
    wc_ext = jnp.zeros((NPLANES, NB + 1), jnp.float32)
    wc_ext = wc_ext.at[:R, :NB].set(w_comp).at[R, NB].set(1.0)

    table3 = _transform(xpad, w_ext, wc_ext)
    table = table3.reshape(NPLANES * NPAD, DOUT)

    nch = EPAD // CHUNK
    srcp = jnp.pad(edge_index[0], (0, EPAD - E))
    typep = jnp.pad(edge_type, (0, EPAD - E))
    dstp = jnp.pad(edge_index[1], (0, EPAD - E),
                   constant_values=NPAD - 1)
    idx3 = _pack_indices(typep.reshape(nch, CHUNK),
                         srcp.reshape(nch, CHUNK),
                         dstp.reshape(nch, CHUNK))
    tail = jnp.zeros((NBUF, 2, CHUNK), jnp.int32)
    idx4 = jnp.concatenate([idx3, tail], axis=0)

    zeros = jnp.zeros((ROWS_PER_TILE, DOUT), jnp.float32)

    p0, p1 = _sc_aggregate(table, idx4, zeros)
    out = _combine(p0, p1)
    return out[:N]

# --- scband reference (transcript-rebuilt; emitter-appended) ---
"""Pipeline reference for scband-rgcnbasis-layer-5978594476287 (READ-ONLY COPY).

The authoritative reference and input builder live on the scoring server;
editing this copy changes nothing except your own understanding.
"""

import jax, jax.numpy as jnp
import numpy as np

N = 10000       # nodes
E = 320000      # edges
DIN = 128       # inp_dim
DOUT = 128      # out_dim
R = 8           # num_rels
NB = 4          # num_bases


def setup_inputs(seed: int = 0) -> dict:
    key = jax.random.key(seed)
    k0, k1, k2, k3, k4, k5 = jax.random.split(key, 6)
    x = jax.random.normal(k0, (N, DIN), dtype=jnp.float32)
    edge_index = jax.random.randint(k1, (2, E), 0, N, dtype=jnp.int32)
    edge_type = jax.random.randint(k2, (E,), 0, R, dtype=jnp.int32)
    # learned parameters (xavier-like scaling)
    weight = jax.random.normal(k3, (NB, DIN, DOUT), dtype=jnp.float32) * (2.0 / np.sqrt(DIN + DOUT))
    w_comp = jax.random.normal(k4, (R, NB), dtype=jnp.float32) * (2.0 / np.sqrt(R + NB))
    self_loop_weight = jax.random.normal(k5, (DIN, DOUT), dtype=jnp.float32) * (2.0 / np.sqrt(DIN + DOUT))
    return {
        'x': x,
        'edge_index': edge_index,
        'edge_type': edge_type,
        'weight': weight,
        'w_comp': w_comp,
        'self_loop_weight': self_loop_weight,
    }


def reference(x, edge_index, edge_type, weight, w_comp, self_loop_weight):
    # basis decomposition: per-relation weights W[r] = sum_b w_comp[r,b] * weight[b]
    W = jnp.matmul(w_comp, weight.reshape(NB, DIN * DOUT)).reshape(R, DIN, DOUT)
    # transform all nodes under all relations (mathematically identical to the
    # per-edge bmm: msg_e = x[src_e] @ W[type_e]); avoids materializing E copies of W
    transformed = jnp.einsum('nd,rdo->rno', x, W)  # [R, N, DOUT]
    src = edge_index[0]
    dst = edge_index[1]
    # edge_dropout=0 -> w = ones; has_attn=False -> alpha = ones
    msg = transformed[edge_type, src]              # gather [E, DOUT]
    agg = jax.ops.segment_sum(msg, dst, num_segments=N)
    # self-loop term (curr_emb in the DGL msg_func / SumAggregator)
    curr = jnp.matmul(x, self_loop_weight)
    node_repr = agg + curr
    # activation=relu, bias=None, dropout=0
    node_repr = jax.nn.relu(node_repr)
    # is_input_layer=True -> repr = h.unsqueeze(1); we return h
    return node_repr

if __name__ == "__main__":
    import jax
    _d = setup_inputs()
    print(jax.jit(kernel)(*tuple(_d.values())))

</pallas_src>

<mosaic_0001>
#map = affine_map<(d0, d1) -> (0, 0)>
#map1 = affine_map<(d0, d1) -> (0, 0, 0)>
module attributes {stable_mosaic.version = 14 : i64} {
  func.func @_sc_body(%arg0: i32, %arg1: i32, %arg2: memref<102400x128xf32, #tpu.memory_space<hbm>>, %arg3: memref<5122x2x64xi32, #tpu.memory_space<hbm>>, %arg4: memref<640x128xf32, #tpu.memory_space<hbm>>, %arg5: memref<10240x128xf32, #tpu.memory_space<hbm>>, %arg6: memref<10240x128xf32, #tpu.memory_space<hbm>>, %arg7: memref<10240x128xf32, #tpu.memory_space<vmem_shared>>, %arg8: memref<2x2x64xi32, #tpu.memory_space<vmem>>, %arg9: memref<2x64x128xf32, #tpu.memory_space<vmem>>, %arg10: memref<!tpu.dma_semaphore, #tpu.memory_space<semaphore_mem>>, %arg11: memref<!tpu.dma_semaphore, #tpu.memory_space<semaphore_mem>>, %arg12: memref<!tpu.dma_semaphore, #tpu.memory_space<semaphore_mem>>, %arg13: memref<!tpu.dma_semaphore, #tpu.memory_space<semaphore_mem>>) attributes {dimension_semantics = [#tpu.dimension_semantics<core_parallel>, #tpu.dimension_semantics<subcore_parallel>], iteration_bounds = array<i64: 2, 16>, scalar_prefetch = 0 : i64, scratch_operands = 7 : i64, tpu.core_type = #tpu.core_type<sc_vector_subcore>, window_params = [{transform_indices = #map}, {transform_indices = #map1}, {transform_indices = #map}, {transform_indices = #map}, {transform_indices = #map}]} {
    %mul3A = arith.constant 640 : i32
    %mul3A_0 = arith.muli %arg1, %mul3A : i32
    %add3A = arith.constant 8 : i32
    %add3A_1 = arith.addi %add3A, %arg0 : i32
    %mul3A_2 = arith.constant 10240 : i32
    %mul3A_3 = arith.muli %add3A_1, %mul3A_2 : i32
    %add3A_4 = arith.addi %mul3A_3, %mul3A_0 : i32
    "tpu.region"() ({
      %run_scoped3A = tpu.sem_alloc : memref<!tpu.dma_semaphore, #tpu.memory_space<semaphore_mem>>
      %dma_start3A = arith.constant 0 : i32
      %dma_start3A_22 = tpu.memref_slice %arg7[%mul3A_0, %dma_start3A] : memref<10240x128xf32, #tpu.memory_space<vmem_shared>> -> memref<640x128xf32, #tpu.memory_space<vmem_shared>>
      %dma_start3A_23 = arith.constant 0 : i32
      %dma_start3A_24 = tpu.memref_slice %arg2[%add3A_4, %dma_start3A_23] : memref<102400x128xf32, #tpu.memory_space<hbm>> -> memref<640x128xf32, #tpu.memory_space<hbm>>
      tpu.enqueue_dma source(%dma_start3A_24 : memref<640x128xf32, #tpu.memory_space<hbm>>) target(%dma_start3A_22 : memref<640x128xf32, #tpu.memory_space<vmem_shared>>) target_semaphore(%run_scoped3A : memref<!tpu.dma_semaphore, #tpu.memory_space<semaphore_mem>>)
      %dma_wait3A = arith.constant 0 : i32
      %dma_wait3A_25 = tpu.memref_slice %arg7[%mul3A_0, %dma_wait3A] : memref<10240x128xf32, #tpu.memory_space<vmem_shared>> -> memref<640x128xf32, #tpu.memory_space<vmem_shared>>
      %dma_wait3A_26 = arith.constant 0 : i32
      %dma_wait3A_27 = tpu.memref_slice %arg2[%add3A_4, %dma_wait3A_26] : memref<102400x128xf32, #tpu.memory_space<hbm>> -> memref<640x128xf32, #tpu.memory_space<hbm>>
      tpu.wait_dma2 semaphore(%run_scoped3A : memref<!tpu.dma_semaphore, #tpu.memory_space<semaphore_mem>>) src(%dma_wait3A_27 : memref<640x128xf32, #tpu.memory_space<hbm>>) dst(%dma_wait3A_25 : memref<640x128xf32, #tpu.memory_space<vmem_shared>>)
      tpu.yield
    }) : () -> ()
    %barrier3A = arith.constant 0 : index
    tpu.barrier barrier_id(%barrier3A)
    %eq3A = arith.constant 0 : i32
    %eq3A_5 = arith.cmpi eq, %arg0, %eq3A : i32
    %convert_element_type3A = arith.extui %eq3A_5 : i1 to i32
    %cond3A = arith.constant 0 : i32
    %cond3A_6 = arith.cmpi ne, %convert_element_type3A, %cond3A : i32
    scf.if %cond3A_6 {
      %mul3A_22 = arith.constant 288 : i32
      %mul3A_23 = arith.muli %arg1, %mul3A_22 : i32
      %add3A_24 = arith.constant 0 : i32
      %add3A_25 = arith.addi %mul3A_23, %add3A_24 : i32
      %dma_start3A = arith.constant 0 : i32
      %dma_start3A_26 = arith.constant 0 : i32
      %dma_start3A_27 = arith.constant 0 : i32
      %dma_start3A_28 = tpu.memref_slice %arg8[%dma_start3A, %dma_start3A_26, %dma_start3A_27] : memref<2x2x64xi32, #tpu.memory_space<vmem>> -> memref<1x2x64xi32, #tpu.memory_space<vmem>>
      %dma_start3A_29 = tpu.memref_squeeze %dma_start3A_28 : memref<1x2x64xi32, #tpu.memory_space<vmem>> -> memref<2x64xi32, #tpu.memory_space<vmem>>
      %dma_start3A_30 = arith.constant 0 : i32
      %dma_start3A_31 = arith.constant 0 : i32
      %dma_start3A_32 = tpu.memref_slice %arg3[%add3A_25, %dma_start3A_30, %dma_start3A_31] : memref<5122x2x64xi32, #tpu.memory_space<hbm>> -> memref<1x2x64xi32, #tpu.memory_space<hbm>>
      %dma_start3A_33 = tpu.memref_squeeze %dma_start3A_32 : memref<1x2x64xi32, #tpu.memory_space<hbm>> -> memref<2x64xi32, #tpu.memory_space<hbm>>
      %dma_start3A_34 = arith.constant 0 : i32
      %dma_start3A_35 = arith.constant 0 : i32
      %dma_start3A_36 = tpu.memref_slice %arg8[%dma_start3A, %dma_start3A_34, %dma_start3A_35] : memref<2x2x64xi32, #tpu.memory_space<vmem>> -> memref<1x2x64xi32, #tpu.memory_space<vmem>>
      %dma_start3A_37 = tpu.memref_squeeze %dma_start3A_36 : memref<1x2x64xi32, #tpu.memory_space<vmem>> -> memref<2x64xi32, #tpu.memory_space<vmem>>
      %dma_start3A_38 = arith.constant 0 : i32
      %dma_start3A_39 = arith.constant 0 : i32
      %dma_start3A_40 = tpu.memref_slice %arg3[%add3A_25, %dma_start3A_38, %dma_start3A_39] : memref<5122x2x64xi32, #tpu.memory_space<hbm>> -> memref<1x2x64xi32, #tpu.memory_space<hbm>>
      %dma_start3A_41 = tpu.memref_squeeze %dma_start3A_40 : memref<1x2x64xi32, #tpu.memory_space<hbm>> -> memref<2x64xi32, #tpu.memory_space<hbm>>
      tpu.enqueue_dma source(%dma_start3A_41 : memref<2x64xi32, #tpu.memory_space<hbm>>) target(%dma_start3A_37 : memref<2x64xi32, #tpu.memory_space<vmem>>) target_semaphore(%arg10 : memref<!tpu.dma_semaphore, #tpu.memory_space<semaphore_mem>>)
      %add3A_42 = arith.constant 1 : i32
      %add3A_43 = arith.addi %mul3A_23, %add3A_42 : i32
      %dma_start3A_44 = arith.constant 1 : i32
      %dma_start3A_45 = arith.constant 0 : i32
      %dma_start3A_46 = arith.constant 0 : i32
      %dma_start3A_47 = tpu.memref_slice %arg8[%dma_start3A_44, %dma_start3A_45, %dma_start3A_46] : memref<2x2x64xi32, #tpu.memory_space<vmem>> -> memref<1x2x64xi32, #tpu.memory_space<vmem>>
      %dma_start3A_48 = tpu.memref_squeeze %dma_start3A_47 : memref<1x2x64xi32, #tpu.memory_space<vmem>> -> memref<2x64xi32, #tpu.memory_space<vmem>>
      %dma_start3A_49 = arith.constant 0 : i32
      %dma_start3A_50 = arith.constant 0 : i32
      %dma_start3A_51 = tpu.memref_slice %arg3[%add3A_43, %dma_start3A_49, %dma_start3A_50] : memref<5122x2x64xi32, #tpu.memory_space<hbm>> -> memref<1x2x64xi32, #tpu.memory_space<hbm>>
      %dma_start3A_52 = tpu.memref_squeeze %dma_start3A_51 : memref<1x2x64xi32, #tpu.memory_space<hbm>> -> memref<2x64xi32, #tpu.memory_space<hbm>>
      %dma_start3A_53 = arith.constant 0 : i32
      %dma_start3A_54 = arith.constant 0 : i32
      %dma_start3A_55 = tpu.memref_slice %arg8[%dma_start3A_44, %dma_start3A_53, %dma_start3A_54] : memref<2x2x64xi32, #tpu.memory_space<vmem>> -> memref<1x2x64xi32, #tpu.memory_space<vmem>>
      %dma_start3A_56 = tpu.memref_squeeze %dma_start3A_55 : memref<1x2x64xi32, #tpu.memory_space<vmem>> -> memref<2x64xi32, #tpu.memory_space<vmem>>
      %dma_start3A_57 = arith.constant 0 : i32
      %dma_start3A_58 = arith.constant 0 : i32
      %dma_start3A_59 = tpu.memref_slice %arg3[%add3A_43, %dma_start3A_57, %dma_start3A_58] : memref<5122x2x64xi32, #tpu.memory_space<hbm>> -> memref<1x2x64xi32, #tpu.memory_space<hbm>>
      %dma_start3A_60 = tpu.memref_squeeze %dma_start3A_59 : memref<1x2x64xi32, #tpu.memory_space<hbm>> -> memref<2x64xi32, #tpu.memory_space<hbm>>
      tpu.enqueue_dma source(%dma_start3A_60 : memref<2x64xi32, #tpu.memory_space<hbm>>) target(%dma_start3A_56 : memref<2x64xi32, #tpu.memory_space<vmem>>) target_semaphore(%arg11 : memref<!tpu.dma_semaphore, #tpu.memory_space<semaphore_mem>>)
      %add3A_61 = arith.constant 0 : i32
      %add3A_62 = arith.addi %mul3A_23, %add3A_61 : i32
      %dma_wait3A = arith.constant 0 : i32
      %dma_wait3A_63 = arith.constant 0 : i32
      %dma_wait3A_64 = arith.constant 0 : i32
      %dma_wait3A_65 = tpu.memref_slice %arg8[%dma_wait3A, %dma_wait3A_63, %dma_wait3A_64] : memref<2x2x64xi32, #tpu.memory_space<vmem>> -> memref<1x2x64xi32, #tpu.memory_space<vmem>>
      %dma_wait3A_66 = tpu.memref_squeeze %dma_wait3A_65 : memref<1x2x64xi32, #tpu.memory_space<vmem>> -> memref<2x64xi32, #tpu.memory_space<vmem>>
      %dma_wait3A_67 = arith.constant 0 : i32
      %dma_wait3A_68 = arith.constant 0 : i32
      %dma_wait3A_69 = tpu.memref_slice %arg3[%add3A_62, %dma_wait3A_67, %dma_wait3A_68] : memref<5122x2x64xi32, #tpu.memory_space<hbm>> -> memref<1x2x64xi32, #tpu.memory_space<hbm>>
      %dma_wait3A_70 = tpu.memref_squeeze %dma_wait3A_69 : memref<1x2x64xi32, #tpu.memory_space<hbm>> -> memref<2x64xi32, #tpu.memory_space<hbm>>
      %dma_wait3A_71 = arith.constant 0 : i32
      %dma_wait3A_72 = arith.constant 0 : i32
      %dma_wait3A_73 = tpu.memref_slice %arg8[%dma_wait3A, %dma_wait3A_71, %dma_wait3A_72] : memref<2x2x64xi32, #tpu.memory_space<vmem>> -> memref<1x2x64xi32, #tpu.memory_space<vmem>>
      %dma_wait3A_74 = tpu.memref_squeeze %dma_wait3A_73 : memref<1x2x64xi32, #tpu.memory_space<vmem>> -> memref<2x64xi32, #tpu.memory_space<vmem>>
      %dma_wait3A_75 = arith.constant 0 : i32
      %dma_wait3A_76 = arith.constant 0 : i32
      %dma_wait3A_77 = tpu.memref_slice %arg3[%add3A_62, %dma_wait3A_75, %dma_wait3A_76] : memref<5122x2x64xi32, #tpu.memory_space<hbm>> -> memref<1x2x64xi32, #tpu.memory_space<hbm>>
      %dma_wait3A_78 = tpu.memref_squeeze %dma_wait3A_77 : memref<1x2x64xi32, #tpu.memory_space<hbm>> -> memref<2x64xi32, #tpu.memory_space<hbm>>
      tpu.wait_dma2 semaphore(%arg10 : memref<!tpu.dma_semaphore, #tpu.memory_space<semaphore_mem>>) src(%dma_wait3A_78 : memref<2x64xi32, #tpu.memory_space<hbm>>) dst(%dma_wait3A_74 : memref<2x64xi32, #tpu.memory_space<vmem>>)
      %dma_start3A_79 = arith.constant 0 : i32
      %dma_start3A_80 = arith.constant 0 : i32
      %dma_start3A_81 = arith.constant 0 : i32
      %dma_start3A_82 = arith.constant 0 : i32
      %dma_start3A_83 = arith.constant 0 : i32
      %dma_start3A_84 = tpu.memref_slice %arg9[%dma_start3A_81, %dma_start3A_82, %dma_start3A_83] : memref<2x64x128xf32, #tpu.memory_space<vmem>> -> memref<1x64x128xf32, #tpu.memory_space<vmem>>
      %dma_start3A_85 = tpu.memref_squeeze %dma_start3A_84 : memref<1x64x128xf32, #tpu.memory_space<vmem>> -> memref<64x128xf32, #tpu.memory_space<vmem>>
      %dma_start3A_86 = arith.constant 0 : i32
      %dma_start3A_87 = tpu.memref_slice %arg8[%dma_start3A_79, %dma_start3A_80, %dma_start3A_86] : memref<2x2x64xi32, #tpu.memory_space<vmem>> -> memref<1x1x64xi32, #tpu.memory_space<vmem>>
      %dma_start3A_88 = tpu.memref_squeeze %dma_start3A_87 : memref<1x1x64xi32, #tpu.memory_space<vmem>> -> memref<64xi32, #tpu.memory_space<vmem>>
      %dma_start3A_89 = arith.constant 0 : i32
      %dma_start3A_90 = arith.constant 0 : i32
      %dma_start3A_91 = tpu.memref_slice %arg2[%dma_start3A_89, %dma_start3A_90] : memref<102400x128xf32, #tpu.memory_space<hbm>> -> memref<102400x128xf32, #tpu.memory_space<hbm>>
      tpu.enqueue_indirect_dma source(%dma_start3A_91 : memref<102400x128xf32, #tpu.memory_space<hbm>>) target(%dma_start3A_85 : memref<64x128xf32, #tpu.memory_space<vmem>>) offsets(%dma_start3A_88 : memref<64xi32, #tpu.memory_space<vmem>>) semaphore(%arg12 : memref<!tpu.dma_semaphore, #tpu.memory_space<semaphore_mem>>)
      %scan3A = arith.constant 0 : i32
      %scan3A_92 = arith.constant 0 : i32
      %scan3A_93 = arith.constant 144 : i32
      %scan3A_94 = arith.addi %scan3A_92, %scan3A_93 : i32
      %scan3A_95 = arith.constant 1 : i32
      scf.for %scan3A_129 = %scan3A_92 to %scan3A_94 step %scan3A_95  : i32 {
        %mul3A_130 = arith.constant 2 : i32
        %mul3A_131 = arith.muli %scan3A_129, %mul3A_130 : i32
        %add3A_132 = arith.constant 0 : i32
        %add3A_133 = arith.addi %mul3A_131, %add3A_132 : i32
        %add3A_134 = arith.constant 2 : i32
        %add3A_135 = arith.addi %add3A_133, %add3A_134 : i32
        %sub3A = arith.constant 1 : i32
        %sub3A_136 = arith.subi %add3A_135, %sub3A : i32
        %add3A_137 = arith.addi %mul3A_23, %sub3A_136 : i32
        %dma_wait3A_138 = arith.constant 1 : i32
        %dma_wait3A_139 = arith.constant 0 : i32
        %dma_wait3A_140 = arith.constant 0 : i32
        %dma_wait3A_141 = tpu.memref_slice %arg8[%dma_wait3A_138, %dma_wait3A_139, %dma_wait3A_140] : memref<2x2x64xi32, #tpu.memory_space<vmem>> -> memref<1x2x64xi32, #tpu.memory_space<vmem>>
        %dma_wait3A_142 = tpu.memref_squeeze %dma_wait3A_141 : memref<1x2x64xi32, #tpu.memory_space<vmem>> -> memref<2x64xi32, #tpu.memory_space<vmem>>
        %dma_wait3A_143 = arith.constant 0 : i32
        %dma_wait3A_144 = arith.constant 0 : i32
        %dma_wait3A_145 = tpu.memref_slice %arg3[%add3A_137, %dma_wait3A_143, %dma_wait3A_144] : memref<5122x2x64xi32, #tpu.memory_space<hbm>> -> memref<1x2x64xi32, #tpu.memory_space<hbm>>
        %dma_wait3A_146 = tpu.memref_squeeze %dma_wait3A_145 : memref<1x2x64xi32, #tpu.memory_space<hbm>> -> memref<2x64xi32, #tpu.memory_space<hbm>>
        %dma_wait3A_147 = arith.constant 0 : i32
        %dma_wait3A_148 = arith.constant 0 : i32
        %dma_wait3A_149 = tpu.memref_slice %arg8[%dma_wait3A_138, %dma_wait3A_147, %dma_wait3A_148] : memref<2x2x64xi32, #tpu.memory_space<vmem>> -> memref<1x2x64xi32, #tpu.memory_space<vmem>>
        %dma_wait3A_150 = tpu.memref_squeeze %dma_wait3A_149 : memref<1x2x64xi32, #tpu.memory_space<vmem>> -> memref<2x64xi32, #tpu.memory_space<vmem>>
        %dma_wait3A_151 = arith.constant 0 : i32
        %dma_wait3A_152 = arith.constant 0 : i32
        %dma_wait3A_153 = tpu.memref_slice %arg3[%add3A_137, %dma_wait3A_151, %dma_wait3A_152] : memref<5122x2x64xi32, #tpu.memory_space<hbm>> -> memref<1x2x64xi32, #tpu.memory_space<hbm>>
        %dma_wait3A_154 = tpu.memref_squeeze %dma_wait3A_153 : memref<1x2x64xi32, #tpu.memory_space<hbm>> -> memref<2x64xi32, #tpu.memory_space<hbm>>
        tpu.wait_dma2 semaphore(%arg11 : memref<!tpu.dma_semaphore, #tpu.memory_space<semaphore_mem>>) src(%dma_wait3A_154 : memref<2x64xi32, #tpu.memory_space<hbm>>) dst(%dma_wait3A_150 : memref<2x64xi32, #tpu.memory_space<vmem>>)
        %dma_start3A_155 = arith.constant 1 : i32
        %dma_start3A_156 = arith.constant 0 : i32
        %dma_start3A_157 = arith.constant 1 : i32
        %dma_start3A_158 = arith.constant 0 : i32
        %dma_start3A_159 = arith.constant 0 : i32
        %dma_start3A_160 = tpu.memref_slice %arg9[%dma_start3A_157, %dma_start3A_158, %dma_start3A_159] : memref<2x64x128xf32, #tpu.memory_space<vmem>> -> memref<1x64x128xf32, #tpu.memory_space<vmem>>
        %dma_start3A_161 = tpu.memref_squeeze %dma_start3A_160 : memref<1x64x128xf32, #tpu.memory_space<vmem>> -> memref<64x128xf32, #tpu.memory_space<vmem>>
        %dma_start3A_162 = arith.constant 0 : i32
        %dma_start3A_163 = tpu.memref_slice %arg8[%dma_start3A_155, %dma_start3A_156, %dma_start3A_162] : memref<2x2x64xi32, #tpu.memory_space<vmem>> -> memref<1x1x64xi32, #tpu.memory_space<vmem>>
        %dma_start3A_164 = tpu.memref_squeeze %dma_start3A_163 : memref<1x1x64xi32, #tpu.memory_space<vmem>> -> memref<64xi32, #tpu.memory_space<vmem>>
        %dma_start3A_165 = arith.constant 0 : i32
        %dma_start3A_166 = arith.constant 0 : i32
        %dma_start3A_167 = tpu.memref_slice %arg2[%dma_start3A_165, %dma_start3A_166] : memref<102400x128xf32, #tpu.memory_space<hbm>> -> memref<102400x128xf32, #tpu.memory_space<hbm>>
        tpu.enqueue_indirect_dma source(%dma_start3A_167 : memref<102400x128xf32, #tpu.memory_space<hbm>>) target(%dma_start3A_161 : memref<64x128xf32, #tpu.memory_space<vmem>>) offsets(%dma_start3A_164 : memref<64xi32, #tpu.memory_space<vmem>>) semaphore(%arg13 : memref<!tpu.dma_semaphore, #tpu.memory_space<semaphore_mem>>)
        %dma_wait3A_168 = arith.constant 0 : i32
        %dma_wait3A_169 = arith.constant 0 : i32
        %dma_wait3A_170 = arith.constant 0 : i32
        %dma_wait3A_171 = arith.constant 0 : i32
        %dma_wait3A_172 = arith.constant 0 : i32
        %dma_wait3A_173 = tpu.memref_slice %arg9[%dma_wait3A_170, %dma_wait3A_171, %dma_wait3A_172] : memref<2x64x128xf32, #tpu.memory_space<vmem>> -> memref<1x64x128xf32, #tpu.memory_space<vmem>>
        %dma_wait3A_174 = tpu.memref_squeeze %dma_wait3A_173 : memref<1x64x128xf32, #tpu.memory_space<vmem>> -> memref<64x128xf32, #tpu.memory_space<vmem>>
        %dma_wait3A_175 = arith.constant 0 : i32
        %dma_wait3A_176 = tpu.memref_slice %arg8[%dma_wait3A_168, %dma_wait3A_169, %dma_wait3A_175] : memref<2x2x64xi32, #tpu.memory_space<vmem>> -> memref<1x1x64xi32, #tpu.memory_space<vmem>>
        %dma_wait3A_177 = tpu.memref_squeeze %dma_wait3A_176 : memref<1x1x64xi32, #tpu.memory_space<vmem>> -> memref<64xi32, #tpu.memory_space<vmem>>
        %dma_wait3A_178 = arith.constant 0 : i32
        %dma_wait3A_179 = arith.constant 0 : i32
        %dma_wait3A_180 = tpu.memref_slice %arg2[%dma_wait3A_178, %dma_wait3A_179] : memref<102400x128xf32, #tpu.memory_space<hbm>> -> memref<102400x128xf32, #tpu.memory_space<hbm>>
        tpu.wait_indirect_dma semaphore(%arg12 : memref<!tpu.dma_semaphore, #tpu.memory_space<semaphore_mem>>) src(%dma_wait3A_180 : memref<102400x128xf32, #tpu.memory_space<hbm>>) dst(%dma_wait3A_174 : memref<64x128xf32, #tpu.memory_space<vmem>>)
        %run_scoped3A = arith.constant 0 : i32
        %run_scoped3A_181 = arith.constant 0 : i32
        %run_scoped3A_182 = arith.constant 1 : i32
        "tpu.region"() ({
          %run_scoped3A_278 = tpu.sem_alloc : memref<!tpu.dma_semaphore, #tpu.memory_space<semaphore_mem>>
          %dma_start3A_279 = arith.constant 0 : i32
          %dma_start3A_280 = arith.constant 0 : i32
          %dma_start3A_281 = tpu.memref_slice %arg9[%run_scoped3A, %dma_start3A_279, %dma_start3A_280] : memref<2x64x128xf32, #tpu.memory_space<vmem>> -> memref<1x64x128xf32, #tpu.memory_space<vmem>>
          %dma_start3A_282 = tpu.memref_squeeze %dma_start3A_281 : memref<1x64x128xf32, #tpu.memory_space<vmem>> -> memref<64x128xf32, #tpu.memory_space<vmem>>
          %dma_start3A_283 = arith.constant 0 : i32
          %dma_start3A_284 = tpu.memref_slice %arg8[%run_scoped3A_181, %run_scoped3A_182, %dma_start3A_283] : memref<2x2x64xi32, #tpu.memory_space<vmem>> -> memref<1x1x64xi32, #tpu.memory_space<vmem>>
          %dma_start3A_285 = tpu.memref_squeeze %dma_start3A_284 : memref<1x1x64xi32, #tpu.memory_space<vmem>> -> memref<64xi32, #tpu.memory_space<vmem>>
          %dma_start3A_286 = arith.constant 0 : i32
          %dma_start3A_287 = arith.constant 0 : i32
          %dma_start3A_288 = tpu.memref_slice %arg7[%dma_start3A_286, %dma_start3A_287] : memref<10240x128xf32, #tpu.memory_space<vmem_shared>> -> memref<10240x128xf32, #tpu.memory_space<vmem_shared>>
          tpu.enqueue_indirect_dma source(%dma_start3A_282 : memref<64x128xf32, #tpu.memory_space<vmem>>) target(%dma_start3A_288 : memref<10240x128xf32, #tpu.memory_space<vmem_shared>>) offsets(%dma_start3A_285 : memref<64xi32, #tpu.memory_space<vmem>>) semaphore(%run_scoped3A_278 : memref<!tpu.dma_semaphore, #tpu.memory_space<semaphore_mem>>) {add = true}
          %dma_wait3A_289 = arith.constant 0 : i32
          %dma_wait3A_290 = arith.constant 0 : i32
          %dma_wait3A_291 = tpu.memref_slice %arg9[%run_scoped3A, %dma_wait3A_289, %dma_wait3A_290] : memref<2x64x128xf32, #tpu.memory_space<vmem>> -> memref<1x64x128xf32, #tpu.memory_space<vmem>>
          %dma_wait3A_292 = tpu.memref_squeeze %dma_wait3A_291 : memref<1x64x128xf32, #tpu.memory_space<vmem>> -> memref<64x128xf32, #tpu.memory_space<vmem>>
          %dma_wait3A_293 = arith.constant 0 : i32
          %dma_wait3A_294 = tpu.memref_slice %arg8[%run_scoped3A_181, %run_scoped3A_182, %dma_wait3A_293] : memref<2x2x64xi32, #tpu.memory_space<vmem>> -> memref<1x1x64xi32, #tpu.memory_space<vmem>>
          %dma_wait3A_295 = tpu.memref_squeeze %dma_wait3A_294 : memref<1x1x64xi32, #tpu.memory_space<vmem>> -> memref<64xi32, #tpu.memory_space<vmem>>
          %dma_wait3A_296 = arith.constant 0 : i32
          %dma_wait3A_297 = arith.constant 0 : i32
          %dma_wait3A_298 = tpu.memref_slice %arg7[%dma_wait3A_296, %dma_wait3A_297] : memref<10240x128xf32, #tpu.memory_space<vmem_shared>> -> memref<10240x128xf32, #tpu.memory_space<vmem_shared>>
          tpu.wait_indirect_dma semaphore(%run_scoped3A_278 : memref<!tpu.dma_semaphore, #tpu.memory_space<semaphore_mem>>) src(%dma_wait3A_292 : memref<64x128xf32, #tpu.memory_space<vmem>>) dst(%dma_wait3A_298 : memref<10240x128xf32, #tpu.memory_space<vmem_shared>>)
          tpu.yield
        }) : () -> ()
        %add3A_183 = arith.constant 2 : i32
        %add3A_184 = arith.addi %add3A_133, %add3A_183 : i32
        %add3A_185 = arith.addi %mul3A_23, %add3A_184 : i32
        %dma_start3A_186 = arith.constant 0 : i32
        %dma_start3A_187 = arith.constant 0 : i32
        %dma_start3A_188 = arith.constant 0 : i32
        %dma_start3A_189 = tpu.memref_slice %arg8[%dma_start3A_186, %dma_start3A_187, %dma_start3A_188] : memref<2x2x64xi32, #tpu.memory_space<vmem>> -> memref<1x2x64xi32, #tpu.memory_space<vmem>>
        %dma_start3A_190 = tpu.memref_squeeze %dma_start3A_189 : memref<1x2x64xi32, #tpu.memory_space<vmem>> -> memref<2x64xi32, #tpu.memory_space<vmem>>
        %dma_start3A_191 = arith.constant 0 : i32
        %dma_start3A_192 = arith.constant 0 : i32
        %dma_start3A_193 = tpu.memref_slice %arg3[%add3A_185, %dma_start3A_191, %dma_start3A_192] : memref<5122x2x64xi32, #tpu.memory_space<hbm>> -> memref<1x2x64xi32, #tpu.memory_space<hbm>>
        %dma_start3A_194 = tpu.memref_squeeze %dma_start3A_193 : memref<1x2x64xi32, #tpu.memory_space<hbm>> -> memref<2x64xi32, #tpu.memory_space<hbm>>
        %dma_start3A_195 = arith.constant 0 : i32
        %dma_start3A_196 = arith.constant 0 : i32
        %dma_start3A_197 = tpu.memref_slice %arg8[%dma_start3A_186, %dma_start3A_195, %dma_start3A_196] : memref<2x2x64xi32, #tpu.memory_space<vmem>> -> memref<1x2x64xi32, #tpu.memory_space<vmem>>
        %dma_start3A_198 = tpu.memref_squeeze %dma_start3A_197 : memref<1x2x64xi32, #tpu.memory_space<vmem>> -> memref<2x64xi32, #tpu.memory_space<vmem>>
        %dma_start3A_199 = arith.constant 0 : i32
        %dma_start3A_200 = arith.constant 0 : i32
        %dma_start3A_201 = tpu.memref_slice %arg3[%add3A_185, %dma_start3A_199, %dma_start3A_200] : memref<5122x2x64xi32, #tpu.memory_space<hbm>> -> memref<1x2x64xi32, #tpu.memory_space<hbm>>
        %dma_start3A_202 = tpu.memref_squeeze %dma_start3A_201 : memref<1x2x64xi32, #tpu.memory_space<hbm>> -> memref<2x64xi32, #tpu.memory_space<hbm>>
        tpu.enqueue_dma source(%dma_start3A_202 : memref<2x64xi32, #tpu.memory_space<hbm>>) target(%dma_start3A_198 : memref<2x64xi32, #tpu.memory_space<vmem>>) target_semaphore(%arg10 : memref<!tpu.dma_semaphore, #tpu.memory_space<semaphore_mem>>)
        %mul3A_203 = arith.constant 2 : i32
        %mul3A_204 = arith.muli %scan3A_129, %mul3A_203 : i32
        %add3A_205 = arith.constant 1 : i32
        %add3A_206 = arith.addi %mul3A_204, %add3A_205 : i32
        %add3A_207 = arith.constant 2 : i32
        %add3A_208 = arith.addi %add3A_206, %add3A_207 : i32
        %sub3A_209 = arith.constant 1 : i32
        %sub3A_210 = arith.subi %add3A_208, %sub3A_209 : i32
        %add3A_211 = arith.addi %mul3A_23, %sub3A_210 : i32
        %dma_wait3A_212 = arith.constant 0 : i32
        %dma_wait3A_213 = arith.constant 0 : i32
        %dma_wait3A_214 = arith.constant 0 : i32
        %dma_wait3A_215 = tpu.memref_slice %arg8[%dma_wait3A_212, %dma_wait3A_213, %dma_wait3A_214] : memref<2x2x64xi32, #tpu.memory_space<vmem>> -> memref<1x2x64xi32, #tpu.memory_space<vmem>>
        %dma_wait3A_216 = tpu.memref_squeeze %dma_wait3A_215 : memref<1x2x64xi32, #tpu.memory_space<vmem>> -> memref<2x64xi32, #tpu.memory_space<vmem>>
        %dma_wait3A_217 = arith.constant 0 : i32
        %dma_wait3A_218 = arith.constant 0 : i32
        %dma_wait3A_219 = tpu.memref_slice %arg3[%add3A_211, %dma_wait3A_217, %dma_wait3A_218] : memref<5122x2x64xi32, #tpu.memory_space<hbm>> -> memref<1x2x64xi32, #tpu.memory_space<hbm>>
        %dma_wait3A_220 = tpu.memref_squeeze %dma_wait3A_219 : memref<1x2x64xi32, #tpu.memory_space<hbm>> -> memref<2x64xi32, #tpu.memory_space<hbm>>
        %dma_wait3A_221 = arith.constant 0 : i32
        %dma_wait3A_222 = arith.constant 0 : i32
        %dma_wait3A_223 = tpu.memref_slice %arg8[%dma_wait3A_212, %dma_wait3A_221, %dma_wait3A_222] : memref<2x2x64xi32, #tpu.memory_space<vmem>> -> memref<1x2x64xi32, #tpu.memory_space<vmem>>
        %dma_wait3A_224 = tpu.memref_squeeze %dma_wait3A_223 : memref<1x2x64xi32, #tpu.memory_space<vmem>> -> memref<2x64xi32, #tpu.memory_space<vmem>>
        %dma_wait3A_225 = arith.constant 0 : i32
        %dma_wait3A_226 = arith.constant 0 : i32
        %dma_wait3A_227 = tpu.memref_slice %arg3[%add3A_211, %dma_wait3A_225, %dma_wait3A_226] : memref<5122x2x64xi32, #tpu.memory_space<hbm>> -> memref<1x2x64xi32, #tpu.memory_space<hbm>>
        %dma_wait3A_228 = tpu.memref_squeeze %dma_wait3A_227 : memref<1x2x64xi32, #tpu.memory_space<hbm>> -> memref<2x64xi32, #tpu.memory_space<hbm>>
        tpu.wait_dma2 semaphore(%arg10 : memref<!tpu.dma_semaphore, #tpu.memory_space<semaphore_mem>>) src(%dma_wait3A_228 : memref<2x64xi32, #tpu.memory_space<hbm>>) dst(%dma_wait3A_224 : memref<2x64xi32, #tpu.memory_space<vmem>>)
        %dma_start3A_229 = arith.constant 0 : i32
        %dma_start3A_230 = arith.constant 0 : i32
        %dma_start3A_231 = arith.constant 0 : i32
        %dma_start3A_232 = arith.constant 0 : i32
        %dma_start3A_233 = arith.constant 0 : i32
        %dma_start3A_234 = tpu.memref_slice %arg9[%dma_start3A_231, %dma_start3A_232, %dma_start3A_233] : memref<2x64x128xf32, #tpu.memory_space<vmem>> -> memref<1x64x128xf32, #tpu.memory_space<vmem>>
        %dma_start3A_235 = tpu.memref_squeeze %dma_start3A_234 : memref<1x64x128xf32, #tpu.memory_space<vmem>> -> memref<64x128xf32, #tpu.memory_space<vmem>>
        %dma_start3A_236 = arith.constant 0 : i32
        %dma_start3A_237 = tpu.memref_slice %arg8[%dma_start3A_229, %dma_start3A_230, %dma_start3A_236] : memref<2x2x64xi32, #tpu.memory_space<vmem>> -> memref<1x1x64xi32, #tpu.memory_space<vmem>>
        %dma_start3A_238 = tpu.memref_squeeze %dma_start3A_237 : memref<1x1x64xi32, #tpu.memory_space<vmem>> -> memref<64xi32, #tpu.memory_space<vmem>>
        %dma_start3A_239 = arith.constant 0 : i32
        %dma_start3A_240 = arith.constant 0 : i32
        %dma_start3A_241 = tpu.memref_slice %arg2[%dma_start3A_239, %dma_start3A_240] : memref<102400x128xf32, #tpu.memory_space<hbm>> -> memref<102400x128xf32, #tpu.memory_space<hbm>>
        tpu.enqueue_indirect_dma source(%dma_start3A_241 : memref<102400x128xf32, #tpu.memory_space<hbm>>) target(%dma_start3A_235 : memref<64x128xf32, #tpu.memory_space<vmem>>) offsets(%dma_start3A_238 : memref<64xi32, #tpu.memory_space<vmem>>) semaphore(%arg12 : memref<!tpu.dma_semaphore, #tpu.memory_space<semaphore_mem>>)
        %dma_wait3A_242 = arith.constant 1 : i32
        %dma_wait3A_243 = arith.constant 0 : i32
        %dma_wait3A_244 = arith.constant 1 : i32
        %dma_wait3A_245 = arith.constant 0 : i32
        %dma_wait3A_246 = arith.constant 0 : i32
        %dma_wait3A_247 = tpu.memref_slice %arg9[%dma_wait3A_244, %dma_wait3A_245, %dma_wait3A_246] : memref<2x64x128xf32, #tpu.memory_space<vmem>> -> memref<1x64x128xf32, #tpu.memory_space<vmem>>
        %dma_wait3A_248 = tpu.memref_squeeze %dma_wait3A_247 : memref<1x64x128xf32, #tpu.memory_space<vmem>> -> memref<64x128xf32, #tpu.memory_space<vmem>>
        %dma_wait3A_249 = arith.constant 0 : i32
        %dma_wait3A_250 = tpu.memref_slice %arg8[%dma_wait3A_242, %dma_wait3A_243, %dma_wait3A_249] : memref<2x2x64xi32, #tpu.memory_space<vmem>> -> memref<1x1x64xi32, #tpu.memory_space<vmem>>
        %dma_wait3A_251 = tpu.memref_squeeze %dma_wait3A_250 : memref<1x1x64xi32, #tpu.memory_space<vmem>> -> memref<64xi32, #tpu.memory_space<vmem>>
        %dma_wait3A_252 = arith.constant 0 : i32
        %dma_wait3A_253 = arith.constant 0 : i32
        %dma_wait3A_254 = tpu.memref_slice %arg2[%dma_wait3A_252, %dma_wait3A_253] : memref<102400x128xf32, #tpu.memory_space<hbm>> -> memref<102400x128xf32, #tpu.memory_space<hbm>>
        tpu.wait_indirect_dma semaphore(%arg13 : memref<!tpu.dma_semaphore, #tpu.memory_space<semaphore_mem>>) src(%dma_wait3A_254 : memref<102400x128xf32, #tpu.memory_space<hbm>>) dst(%dma_wait3A_248 : memref<64x128xf32, #tpu.memory_space<vmem>>)
        %run_scoped3A_255 = arith.constant 1 : i32
        %run_scoped3A_256 = arith.constant 1 : i32
        %run_scoped3A_257 = arith.constant 1 : i32
        "tpu.region"() ({
          %run_scoped3A_278 = tpu.sem_alloc : memref<!tpu.dma_semaphore, #tpu.memory_space<semaphore_mem>>
          %dma_start3A_279 = arith.constant 0 : i32
          %dma_start3A_280 = arith.constant 0 : i32
          %dma_start3A_281 = tpu.memref_slice %arg9[%run_scoped3A_255, %dma_start3A_279, %dma_start3A_280] : memref<2x64x128xf32, #tpu.memory_space<vmem>> -> memref<1x64x128xf32, #tpu.memory_space<vmem>>
          %dma_start3A_282 = tpu.memref_squeeze %dma_start3A_281 : memref<1x64x128xf32, #tpu.memory_space<vmem>> -> memref<64x128xf32, #tpu.memory_space<vmem>>
          %dma_start3A_283 = arith.constant 0 : i32
          %dma_start3A_284 = tpu.memref_slice %arg8[%run_scoped3A_256, %run_scoped3A_257, %dma_start3A_283] : memref<2x2x64xi32, #tpu.memory_space<vmem>> -> memref<1x1x64xi32, #tpu.memory_space<vmem>>
          %dma_start3A_285 = tpu.memref_squeeze %dma_start3A_284 : memref<1x1x64xi32, #tpu.memory_space<vmem>> -> memref<64xi32, #tpu.memory_space<vmem>>
          %dma_start3A_286 = arith.constant 0 : i32
          %dma_start3A_287 = arith.constant 0 : i32
          %dma_start3A_288 = tpu.memref_slice %arg7[%dma_start3A_286, %dma_start3A_287] : memref<10240x128xf32, #tpu.memory_space<vmem_shared>> -> memref<10240x128xf32, #tpu.memory_space<vmem_shared>>
          tpu.enqueue_indirect_dma source(%dma_start3A_282 : memref<64x128xf32, #tpu.memory_space<vmem>>) target(%dma_start3A_288 : memref<10240x128xf32, #tpu.memory_space<vmem_shared>>) offsets(%dma_start3A_285 : memref<64xi32, #tpu.memory_space<vmem>>) semaphore(%run_scoped3A_278 : memref<!tpu.dma_semaphore, #tpu.memory_space<semaphore_mem>>) {add = true}
          %dma_wait3A_289 = arith.constant 0 : i32
          %dma_wait3A_290 = arith.constant 0 : i32
          %dma_wait3A_291 = tpu.memref_slice %arg9[%run_scoped3A_255, %dma_wait3A_289, %dma_wait3A_290] : memref<2x64x128xf32, #tpu.memory_space<vmem>> -> memref<1x64x128xf32, #tpu.memory_space<vmem>>
          %dma_wait3A_292 = tpu.memref_squeeze %dma_wait3A_291 : memref<1x64x128xf32, #tpu.memory_space<vmem>> -> memref<64x128xf32, #tpu.memory_space<vmem>>
          %dma_wait3A_293 = arith.constant 0 : i32
          %dma_wait3A_294 = tpu.memref_slice %arg8[%run_scoped3A_256, %run_scoped3A_257, %dma_wait3A_293] : memref<2x2x64xi32, #tpu.memory_space<vmem>> -> memref<1x1x64xi32, #tpu.memory_space<vmem>>
          %dma_wait3A_295 = tpu.memref_squeeze %dma_wait3A_294 : memref<1x1x64xi32, #tpu.memory_space<vmem>> -> memref<64xi32, #tpu.memory_space<vmem>>
          %dma_wait3A_296 = arith.constant 0 : i32
          %dma_wait3A_297 = arith.constant 0 : i32
          %dma_wait3A_298 = tpu.memref_slice %arg7[%dma_wait3A_296, %dma_wait3A_297] : memref<10240x128xf32, #tpu.memory_space<vmem_shared>> -> memref<10240x128xf32, #tpu.memory_space<vmem_shared>>
          tpu.wait_indirect_dma semaphore(%run_scoped3A_278 : memref<!tpu.dma_semaphore, #tpu.memory_space<semaphore_mem>>) src(%dma_wait3A_292 : memref<64x128xf32, #tpu.memory_space<vmem>>) dst(%dma_wait3A_298 : memref<10240x128xf32, #tpu.memory_space<vmem_shared>>)
          tpu.yield
        }) : () -> ()
        %add3A_258 = arith.constant 2 : i32
        %add3A_259 = arith.addi %add3A_206, %add3A_258 : i32
        %add3A_260 = arith.addi %mul3A_23, %add3A_259 : i32
        %dma_start3A_261 = arith.constant 1 : i32
        %dma_start3A_262 = arith.constant 0 : i32
        %dma_start3A_263 = arith.constant 0 : i32
        %dma_start3A_264 = tpu.memref_slice %arg8[%dma_start3A_261, %dma_start3A_262, %dma_start3A_263] : memref<2x2x64xi32, #tpu.memory_space<vmem>> -> memref<1x2x64xi32, #tpu.memory_space<vmem>>
        %dma_start3A_265 = tpu.memref_squeeze %dma_start3A_264 : memref<1x2x64xi32, #tpu.memory_space<vmem>> -> memref<2x64xi32, #tpu.memory_space<vmem>>
        %dma_start3A_266 = arith.constant 0 : i32
        %dma_start3A_267 = arith.constant 0 : i32
        %dma_start3A_268 = tpu.memref_slice %arg3[%add3A_260, %dma_start3A_266, %dma_start3A_267] : memref<5122x2x64xi32, #tpu.memory_space<hbm>> -> memref<1x2x64xi32, #tpu.memory_space<hbm>>
        %dma_start3A_269 = tpu.memref_squeeze %dma_start3A_268 : memref<1x2x64xi32, #tpu.memory_space<hbm>> -> memref<2x64xi32, #tpu.memory_space<hbm>>
        %dma_start3A_270 = arith.constant 0 : i32
        %dma_start3A_271 = arith.constant 0 : i32
        %dma_start3A_272 = tpu.memref_slice %arg8[%dma_start3A_261, %dma_start3A_270, %dma_start3A_271] : memref<2x2x64xi32, #tpu.memory_space<vmem>> -> memref<1x2x64xi32, #tpu.memory_space<vmem>>
        %dma_start3A_273 = tpu.memref_squeeze %dma_start3A_272 : memref<1x2x64xi32, #tpu.memory_space<vmem>> -> memref<2x64xi32, #tpu.memory_space<vmem>>
        %dma_start3A_274 = arith.constant 0 : i32
        %dma_start3A_275 = arith.constant 0 : i32
        %dma_start3A_276 = tpu.memref_slice %arg3[%add3A_260, %dma_start3A_274, %dma_start3A_275] : memref<5122x2x64xi32, #tpu.memory_space<hbm>> -> memref<1x2x64xi32, #tpu.memory_space<hbm>>
        %dma_start3A_277 = tpu.memref_squeeze %dma_start3A_276 : memref<1x2x64xi32, #tpu.memory_space<hbm>> -> memref<2x64xi32, #tpu.memory_space<hbm>>
        tpu.enqueue_dma source(%dma_start3A_277 : memref<2x64xi32, #tpu.memory_space<hbm>>) target(%dma_start3A_273 : memref<2x64xi32, #tpu.memory_space<vmem>>) target_semaphore(%arg11 : memref<!tpu.dma_semaphore, #tpu.memory_space<semaphore_mem>>)
      }
      %scan3A_96 = arith.constant 144 : i32
      %dma_wait3A_97 = arith.constant 0 : i32
      %dma_wait3A_98 = arith.constant 0 : i32
      %dma_wait3A_99 = arith.constant 0 : i32
      %dma_wait3A_100 = arith.constant 0 : i32
      %dma_wait3A_101 = arith.constant 0 : i32
      %dma_wait3A_102 = tpu.memref_slice %arg9[%dma_wait3A_99, %dma_wait3A_100, %dma_wait3A_101] : memref<2x64x128xf32, #tpu.memory_space<vmem>> -> memref<1x64x128xf32, #tpu.memory_space<vmem>>
      %dma_wait3A_103 = tpu.memref_squeeze %dma_wait3A_102 : memref<1x64x128xf32, #tpu.memory_space<vmem>> -> memref<64x128xf32, #tpu.memory_space<vmem>>
      %dma_wait3A_104 = arith.constant 0 : i32
      %dma_wait3A_105 = tpu.memref_slice %arg8[%dma_wait3A_97, %dma_wait3A_98, %dma_wait3A_104] : memref<2x2x64xi32, #tpu.memory_space<vmem>> -> memref<1x1x64xi32, #tpu.memory_space<vmem>>
      %dma_wait3A_106 = tpu.memref_squeeze %dma_wait3A_105 : memref<1x1x64xi32, #tpu.memory_space<vmem>> -> memref<64xi32, #tpu.memory_space<vmem>>
      %dma_wait3A_107 = arith.constant 0 : i32
      %dma_wait3A_108 = arith.constant 0 : i32
      %dma_wait3A_109 = tpu.memref_slice %arg2[%dma_wait3A_107, %dma_wait3A_108] : memref<102400x128xf32, #tpu.memory_space<hbm>> -> memref<102400x128xf32, #tpu.memory_space<hbm>>
      tpu.wait_indirect_dma semaphore(%arg12 : memref<!tpu.dma_semaphore, #tpu.memory_space<semaphore_mem>>) src(%dma_wait3A_109 : memref<102400x128xf32, #tpu.memory_space<hbm>>) dst(%dma_wait3A_103 : memref<64x128xf32, #tpu.memory_space<vmem>>)
      %add3A_110 = arith.constant 289 : i32
      %add3A_111 = arith.addi %mul3A_23, %add3A_110 : i32
      %dma_wait3A_112 = arith.constant 1 : i32
      %dma_wait3A_113 = arith.constant 0 : i32
      %dma_wait3A_114 = arith.constant 0 : i32
      %dma_wait3A_115 = tpu.memref_slice %arg8[%dma_wait3A_112, %dma_wait3A_113, %dma_wait3A_114] : memref<2x2x64xi32, #tpu.memory_space<vmem>> -> memref<1x2x64xi32, #tpu.memory_space<vmem>>
      %dma_wait3A_116 = tpu.memref_squeeze %dma_wait3A_115 : memref<1x2x64xi32, #tpu.memory_space<vmem>> -> memref<2x64xi32, #tpu.memory_space<vmem>>
      %dma_wait3A_117 = arith.constant 0 : i32
      %dma_wait3A_118 = arith.constant 0 : i32
      %dma_wait3A_119 = tpu.memref_slice %arg3[%add3A_111, %dma_wait3A_117, %dma_wait3A_118] : memref<5122x2x64xi32, #tpu.memory_space<hbm>> -> memref<1x2x64xi32, #tpu.memory_space<hbm>>
      %dma_wait3A_120 = tpu.memref_squeeze %dma_wait3A_119 : memref<1x2x64xi32, #tpu.memory_space<hbm>> -> memref<2x64xi32, #tpu.memory_space<hbm>>
      %dma_wait3A_121 = arith.constant 0 : i32
      %dma_wait3A_122 = arith.constant 0 : i32
      %dma_wait3A_123 = tpu.memref_slice %arg8[%dma_wait3A_112, %dma_wait3A_121, %dma_wait3A_122] : memref<2x2x64xi32, #tpu.memory_space<vmem>> -> memref<1x2x64xi32, #tpu.memory_space<vmem>>
      %dma_wait3A_124 = tpu.memref_squeeze %dma_wait3A_123 : memref<1x2x64xi32, #tpu.memory_space<vmem>> -> memref<2x64xi32, #tpu.memory_space<vmem>>
      %dma_wait3A_125 = arith.constant 0 : i32
      %dma_wait3A_126 = arith.constant 0 : i32
      %dma_wait3A_127 = tpu.memref_slice %arg3[%add3A_111, %dma_wait3A_125, %dma_wait3A_126] : memref<5122x2x64xi32, #tpu.memory_space<hbm>> -> memref<1x2x64xi32, #tpu.memory_space<hbm>>
      %dma_wait3A_128 = tpu.memref_squeeze %dma_wait3A_127 : memref<1x2x64xi32, #tpu.memory_space<hbm>> -> memref<2x64xi32, #tpu.memory_space<hbm>>
      tpu.wait_dma2 semaphore(%arg11 : memref<!tpu.dma_semaphore, #tpu.memory_space<semaphore_mem>>) src(%dma_wait3A_128 : memref<2x64xi32, #tpu.memory_space<hbm>>) dst(%dma_wait3A_124 : memref<2x64xi32, #tpu.memory_space<vmem>>)
    } else {
    }
    %ne3A = arith.constant 0 : i32
    %ne3A_7 = arith.cmpi ne, %arg0, %ne3A : i32
    %convert_element_type3A_8 = arith.extui %ne3A_7 : i1 to i32
    %cond3A_9 = arith.constant 0 : i32
    %cond3A_10 = arith.cmpi ne, %convert_element_type3A_8, %cond3A_9 : i32
    scf.if %cond3A_10 {
      %mul3A_22 = arith.constant 32 : i32
      %mul3A_23 = arith.muli %arg1, %mul3A_22 : i32
      %add3A_24 = arith.constant 4608 : i32
      %add3A_25 = arith.addi %add3A_24, %mul3A_23 : i32
      %add3A_26 = arith.constant 0 : i32
      %add3A_27 = arith.addi %add3A_25, %add3A_26 : i32
      %dma_start3A = arith.constant 0 : i32
      %dma_start3A_28 = arith.constant 0 : i32
      %dma_start3A_29 = arith.constant 0 : i32
      %dma_start3A_30 = tpu.memref_slice %arg8[%dma_start3A, %dma_start3A_28, %dma_start3A_29] : memref<2x2x64xi32, #tpu.memory_space<vmem>> -> memref<1x2x64xi32, #tpu.memory_space<vmem>>
      %dma_start3A_31 = tpu.memref_squeeze %dma_start3A_30 : memref<1x2x64xi32, #tpu.memory_space<vmem>> -> memref<2x64xi32, #tpu.memory_space<vmem>>
      %dma_start3A_32 = arith.constant 0 : i32
      %dma_start3A_33 = arith.constant 0 : i32
      %dma_start3A_34 = tpu.memref_slice %arg3[%add3A_27, %dma_start3A_32, %dma_start3A_33] : memref<5122x2x64xi32, #tpu.memory_space<hbm>> -> memref<1x2x64xi32, #tpu.memory_space<hbm>>
      %dma_start3A_35 = tpu.memref_squeeze %dma_start3A_34 : memref<1x2x64xi32, #tpu.memory_space<hbm>> -> memref<2x64xi32, #tpu.memory_space<hbm>>
      %dma_start3A_36 = arith.constant 0 : i32
      %dma_start3A_37 = arith.constant 0 : i32
      %dma_start3A_38 = tpu.memref_slice %arg8[%dma_start3A, %dma_start3A_36, %dma_start3A_37] : memref<2x2x64xi32, #tpu.memory_space<vmem>> -> memref<1x2x64xi32, #tpu.memory_space<vmem>>
      %dma_start3A_39 = tpu.memref_squeeze %dma_start3A_38 : memref<1x2x64xi32, #tpu.memory_space<vmem>> -> memref<2x64xi32, #tpu.memory_space<vmem>>
      %dma_start3A_40 = arith.constant 0 : i32
      %dma_start3A_41 = arith.constant 0 : i32
      %dma_start3A_42 = tpu.memref_slice %arg3[%add3A_27, %dma_start3A_40, %dma_start3A_41] : memref<5122x2x64xi32, #tpu.memory_space<hbm>> -> memref<1x2x64xi32, #tpu.memory_space<hbm>>
      %dma_start3A_43 = tpu.memref_squeeze %dma_start3A_42 : memref<1x2x64xi32, #tpu.memory_space<hbm>> -> memref<2x64xi32, #tpu.memory_space<hbm>>
      tpu.enqueue_dma source(%dma_start3A_43 : memref<2x64xi32, #tpu.memory_space<hbm>>) target(%dma_start3A_39 : memref<2x64xi32, #tpu.memory_space<vmem>>) target_semaphore(%arg10 : memref<!tpu.dma_semaphore, #tpu.memory_space<semaphore_mem>>)
      %add3A_44 = arith.constant 1 : i32
      %add3A_45 = arith.addi %add3A_25, %add3A_44 : i32
      %dma_start3A_46 = arith.constant 1 : i32
      %dma_start3A_47 = arith.constant 0 : i32
      %dma_start3A_48 = arith.constant 0 : i32
      %dma_start3A_49 = tpu.memref_slice %arg8[%dma_start3A_46, %dma_start3A_47, %dma_start3A_48] : memref<2x2x64xi32, #tpu.memory_space<vmem>> -> memref<1x2x64xi32, #tpu.memory_space<vmem>>
      %dma_start3A_50 = tpu.memref_squeeze %dma_start3A_49 : memref<1x2x64xi32, #tpu.memory_space<vmem>> -> memref<2x64xi32, #tpu.memory_space<vmem>>
      %dma_start3A_51 = arith.constant 0 : i32
      %dma_start3A_52 = arith.constant 0 : i32
      %dma_start3A_53 = tpu.memref_slice %arg3[%add3A_45, %dma_start3A_51, %dma_start3A_52] : memref<5122x2x64xi32, #tpu.memory_space<hbm>> -> memref<1x2x64xi32, #tpu.memory_space<hbm>>
      %dma_start3A_54 = tpu.memref_squeeze %dma_start3A_53 : memref<1x2x64xi32, #tpu.memory_space<hbm>> -> memref<2x64xi32, #tpu.memory_space<hbm>>
      %dma_start3A_55 = arith.constant 0 : i32
      %dma_start3A_56 = arith.constant 0 : i32
      %dma_start3A_57 = tpu.memref_slice %arg8[%dma_start3A_46, %dma_start3A_55, %dma_start3A_56] : memref<2x2x64xi32, #tpu.memory_space<vmem>> -> memref<1x2x64xi32, #tpu.memory_space<vmem>>
      %dma_start3A_58 = tpu.memref_squeeze %dma_start3A_57 : memref<1x2x64xi32, #tpu.memory_space<vmem>> -> memref<2x64xi32, #tpu.memory_space<vmem>>
      %dma_start3A_59 = arith.constant 0 : i32
      %dma_start3A_60 = arith.constant 0 : i32
      %dma_start3A_61 = tpu.memref_slice %arg3[%add3A_45, %dma_start3A_59, %dma_start3A_60] : memref<5122x2x64xi32, #tpu.memory_space<hbm>> -> memref<1x2x64xi32, #tpu.memory_space<hbm>>
      %dma_start3A_62 = tpu.memref_squeeze %dma_start3A_61 : memref<1x2x64xi32, #tpu.memory_space<hbm>> -> memref<2x64xi32, #tpu.memory_space<hbm>>
      tpu.enqueue_dma source(%dma_start3A_62 : memref<2x64xi32, #tpu.memory_space<hbm>>) target(%dma_start3A_58 : memref<2x64xi32, #tpu.memory_space<vmem>>) target_semaphore(%arg11 : memref<!tpu.dma_semaphore, #tpu.memory_space<semaphore_mem>>)
      %add3A_63 = arith.constant 0 : i32
      %add3A_64 = arith.addi %add3A_25, %add3A_63 : i32
      %dma_wait3A = arith.constant 0 : i32
      %dma_wait3A_65 = arith.constant 0 : i32
      %dma_wait3A_66 = arith.constant 0 : i32
      %dma_wait3A_67 = tpu.memref_slice %arg8[%dma_wait3A, %dma_wait3A_65, %dma_wait3A_66] : memref<2x2x64xi32, #tpu.memory_space<vmem>> -> memref<1x2x64xi32, #tpu.memory_space<vmem>>
      %dma_wait3A_68 = tpu.memref_squeeze %dma_wait3A_67 : memref<1x2x64xi32, #tpu.memory_space<vmem>> -> memref<2x64xi32, #tpu.memory_space<vmem>>
      %dma_wait3A_69 = arith.constant 0 : i32
      %dma_wait3A_70 = arith.constant 0 : i32
      %dma_wait3A_71 = tpu.memref_slice %arg3[%add3A_64, %dma_wait3A_69, %dma_wait3A_70] : memref<5122x2x64xi32, #tpu.memory_space<hbm>> -> memref<1x2x64xi32, #tpu.memory_space<hbm>>
      %dma_wait3A_72 = tpu.memref_squeeze %dma_wait3A_71 : memref<1x2x64xi32, #tpu.memory_space<hbm>> -> memref<2x64xi32, #tpu.memory_space<hbm>>
      %dma_wait3A_73 = arith.constant 0 : i32
      %dma_wait3A_74 = arith.constant 0 : i32
      %dma_wait3A_75 = tpu.memref_slice %arg8[%dma_wait3A, %dma_wait3A_73, %dma_wait3A_74] : memref<2x2x64xi32, #tpu.memory_space<vmem>> -> memref<1x2x64xi32, #tpu.memory_space<vmem>>
      %dma_wait3A_76 = tpu.memref_squeeze %dma_wait3A_75 : memref<1x2x64xi32, #tpu.memory_space<vmem>> -> memref<2x64xi32, #tpu.memory_space<vmem>>
      %dma_wait3A_77 = arith.constant 0 : i32
      %dma_wait3A_78 = arith.constant 0 : i32
      %dma_wait3A_79 = tpu.memref_slice %arg3[%add3A_64, %dma_wait3A_77, %dma_wait3A_78] : memref<5122x2x64xi32, #tpu.memory_space<hbm>> -> memref<1x2x64xi32, #tpu.memory_space<hbm>>
      %dma_wait3A_80 = tpu.memref_squeeze %dma_wait3A_79 : memref<1x2x64xi32, #tpu.memory_space<hbm>> -> memref<2x64xi32, #tpu.memory_space<hbm>>
      tpu.wait_dma2 semaphore(%arg10 : memref<!tpu.dma_semaphore, #tpu.memory_space<semaphore_mem>>) src(%dma_wait3A_80 : memref<2x64xi32, #tpu.memory_space<hbm>>) dst(%dma_wait3A_76 : memref<2x64xi32, #tpu.memory_space<vmem>>)
      %dma_start3A_81 = arith.constant 0 : i32
      %dma_start3A_82 = arith.constant 0 : i32
      %dma_start3A_83 = arith.constant 0 : i32
      %dma_start3A_84 = arith.constant 0 : i32
      %dma_start3A_85 = arith.constant 0 : i32
      %dma_start3A_86 = tpu.memref_slice %arg9[%dma_start3A_83, %dma_start3A_84, %dma_start3A_85] : memref<2x64x128xf32, #tpu.memory_space<vmem>> -> memref<1x64x128xf32, #tpu.memory_space<vmem>>
      %dma_start3A_87 = tpu.memref_squeeze %dma_start3A_86 : memref<1x64x128xf32, #tpu.memory_space<vmem>> -> memref<64x128xf32, #tpu.memory_space<vmem>>
      %dma_start3A_88 = arith.constant 0 : i32
      %dma_start3A_89 = tpu.memref_slice %arg8[%dma_start3A_81, %dma_start3A_82, %dma_start3A_88] : memref<2x2x64xi32, #tpu.memory_space<vmem>> -> memref<1x1x64xi32, #tpu.memory_space<vmem>>
      %dma_start3A_90 = tpu.memref_squeeze %dma_start3A_89 : memref<1x1x64xi32, #tpu.memory_space<vmem>> -> memref<64xi32, #tpu.memory_space<vmem>>
      %dma_start3A_91 = arith.constant 0 : i32
      %dma_start3A_92 = arith.constant 0 : i32
      %dma_start3A_93 = tpu.memref_slice %arg2[%dma_start3A_91, %dma_start3A_92] : memref<102400x128xf32, #tpu.memory_space<hbm>> -> memref<102400x128xf32, #tpu.memory_space<hbm>>
      tpu.enqueue_indirect_dma source(%dma_start3A_93 : memref<102400x128xf32, #tpu.memory_space<hbm>>) target(%dma_start3A_87 : memref<64x128xf32, #tpu.memory_space<vmem>>) offsets(%dma_start3A_90 : memref<64xi32, #tpu.memory_space<vmem>>) semaphore(%arg12 : memref<!tpu.dma_semaphore, #tpu.memory_space<semaphore_mem>>)
      %scan3A = arith.constant 0 : i32
      %scan3A_94 = arith.constant 0 : i32
      %scan3A_95 = arith.constant 16 : i32
      %scan3A_96 = arith.addi %scan3A_94, %scan3A_95 : i32
      %scan3A_97 = arith.constant 1 : i32
      scf.for %scan3A_131 = %scan3A_94 to %scan3A_96 step %scan3A_97  : i32 {
        %mul3A_132 = arith.constant 2 : i32
        %mul3A_133 = arith.muli %scan3A_131, %mul3A_132 : i32
        %add3A_134 = arith.constant 0 : i32
        %add3A_135 = arith.addi %mul3A_133, %add3A_134 : i32
        %add3A_136 = arith.constant 2 : i32
        %add3A_137 = arith.addi %add3A_135, %add3A_136 : i32
        %sub3A = arith.constant 1 : i32
        %sub3A_138 = arith.subi %add3A_137, %sub3A : i32
        %add3A_139 = arith.addi %add3A_25, %sub3A_138 : i32
        %dma_wait3A_140 = arith.constant 1 : i32
        %dma_wait3A_141 = arith.constant 0 : i32
        %dma_wait3A_142 = arith.constant 0 : i32
        %dma_wait3A_143 = tpu.memref_slice %arg8[%dma_wait3A_140, %dma_wait3A_141, %dma_wait3A_142] : memref<2x2x64xi32, #tpu.memory_space<vmem>> -> memref<1x2x64xi32, #tpu.memory_space<vmem>>
        %dma_wait3A_144 = tpu.memref_squeeze %dma_wait3A_143 : memref<1x2x64xi32, #tpu.memory_space<vmem>> -> memref<2x64xi32, #tpu.memory_space<vmem>>
        %dma_wait3A_145 = arith.constant 0 : i32
        %dma_wait3A_146 = arith.constant 0 : i32
        %dma_wait3A_147 = tpu.memref_slice %arg3[%add3A_139, %dma_wait3A_145, %dma_wait3A_146] : memref<5122x2x64xi32, #tpu.memory_space<hbm>> -> memref<1x2x64xi32, #tpu.memory_space<hbm>>
        %dma_wait3A_148 = tpu.memref_squeeze %dma_wait3A_147 : memref<1x2x64xi32, #tpu.memory_space<hbm>> -> memref<2x64xi32, #tpu.memory_space<hbm>>
        %dma_wait3A_149 = arith.constant 0 : i32
        %dma_wait3A_150 = arith.constant 0 : i32
        %dma_wait3A_151 = tpu.memref_slice %arg8[%dma_wait3A_140, %dma_wait3A_149, %dma_wait3A_150] : memref<2x2x64xi32, #tpu.memory_space<vmem>> -> memref<1x2x64xi32, #tpu.memory_space<vmem>>
        %dma_wait3A_152 = tpu.memref_squeeze %dma_wait3A_151 : memref<1x2x64xi32, #tpu.memory_space<vmem>> -> memref<2x64xi32, #tpu.memory_space<vmem>>
        %dma_wait3A_153 = arith.constant 0 : i32
        %dma_wait3A_154 = arith.constant 0 : i32
        %dma_wait3A_155 = tpu.memref_slice %arg3[%add3A_139, %dma_wait3A_153, %dma_wait3A_154] : memref<5122x2x64xi32, #tpu.memory_space<hbm>> -> memref<1x2x64xi32, #tpu.memory_space<hbm>>
        %dma_wait3A_156 = tpu.memref_squeeze %dma_wait3A_155 : memref<1x2x64xi32, #tpu.memory_space<hbm>> -> memref<2x64xi32, #tpu.memory_space<hbm>>
        tpu.wait_dma2 semaphore(%arg11 : memref<!tpu.dma_semaphore, #tpu.memory_space<semaphore_mem>>) src(%dma_wait3A_156 : memref<2x64xi32, #tpu.memory_space<hbm>>) dst(%dma_wait3A_152 : memref<2x64xi32, #tpu.memory_space<vmem>>)
        %dma_start3A_157 = arith.constant 1 : i32
        %dma_start3A_158 = arith.constant 0 : i32
        %dma_start3A_159 = arith.constant 1 : i32
        %dma_start3A_160 = arith.constant 0 : i32
        %dma_start3A_161 = arith.constant 0 : i32
        %dma_start3A_162 = tpu.memref_slice %arg9[%dma_start3A_159, %dma_start3A_160, %dma_start3A_161] : memref<2x64x128xf32, #tpu.memory_space<vmem>> -> memref<1x64x128xf32, #tpu.memory_space<vmem>>
        %dma_start3A_163 = tpu.memref_squeeze %dma_start3A_162 : memref<1x64x128xf32, #tpu.memory_space<vmem>> -> memref<64x128xf32, #tpu.memory_space<vmem>>
        %dma_start3A_164 = arith.constant 0 : i32
        %dma_start3A_165 = tpu.memref_slice %arg8[%dma_start3A_157, %dma_start3A_158, %dma_start3A_164] : memref<2x2x64xi32, #tpu.memory_space<vmem>> -> memref<1x1x64xi32, #tpu.memory_space<vmem>>
        %dma_start3A_166 = tpu.memref_squeeze %dma_start3A_165 : memref<1x1x64xi32, #tpu.memory_space<vmem>> -> memref<64xi32, #tpu.memory_space<vmem>>
        %dma_start3A_167 = arith.constant 0 : i32
        %dma_start3A_168 = arith.constant 0 : i32
        %dma_start3A_169 = tpu.memref_slice %arg2[%dma_start3A_167, %dma_start3A_168] : memref<102400x128xf32, #tpu.memory_space<hbm>> -> memref<102400x128xf32, #tpu.memory_space<hbm>>
        tpu.enqueue_indirect_dma source(%dma_start3A_169 : memref<102400x128xf32, #tpu.memory_space<hbm>>) target(%dma_start3A_163 : memref<64x128xf32, #tpu.memory_space<vmem>>) offsets(%dma_start3A_166 : memref<64xi32, #tpu.memory_space<vmem>>) semaphore(%arg13 : memref<!tpu.dma_semaphore, #tpu.memory_space<semaphore_mem>>)
        %dma_wait3A_170 = arith.constant 0 : i32
        %dma_wait3A_171 = arith.constant 0 : i32
        %dma_wait3A_172 = arith.constant 0 : i32
        %dma_wait3A_173 = arith.constant 0 : i32
        %dma_wait3A_174 = arith.constant 0 : i32
        %dma_wait3A_175 = tpu.memref_slice %arg9[%dma_wait3A_172, %dma_wait3A_173, %dma_wait3A_174] : memref<2x64x128xf32, #tpu.memory_space<vmem>> -> memref<1x64x128xf32, #tpu.memory_space<vmem>>
        %dma_wait3A_176 = tpu.memref_squeeze %dma_wait3A_175 : memref<1x64x128xf32, #tpu.memory_space<vmem>> -> memref<64x128xf32, #tpu.memory_space<vmem>>
        %dma_wait3A_177 = arith.constant 0 : i32
        %dma_wait3A_178 = tpu.memref_slice %arg8[%dma_wait3A_170, %dma_wait3A_171, %dma_wait3A_177] : memref<2x2x64xi32, #tpu.memory_space<vmem>> -> memref<1x1x64xi32, #tpu.memory_space<vmem>>
        %dma_wait3A_179 = tpu.memref_squeeze %dma_wait3A_178 : memref<1x1x64xi32, #tpu.memory_space<vmem>> -> memref<64xi32, #tpu.memory_space<vmem>>
        %dma_wait3A_180 = arith.constant 0 : i32
        %dma_wait3A_181 = arith.constant 0 : i32
        %dma_wait3A_182 = tpu.memref_slice %arg2[%dma_wait3A_180, %dma_wait3A_181] : memref<102400x128xf32, #tpu.memory_space<hbm>> -> memref<102400x128xf32, #tpu.memory_space<hbm>>
        tpu.wait_indirect_dma semaphore(%arg12 : memref<!tpu.dma_semaphore, #tpu.memory_space<semaphore_mem>>) src(%dma_wait3A_182 : memref<102400x128xf32, #tpu.memory_space<hbm>>) dst(%dma_wait3A_176 : memref<64x128xf32, #tpu.memory_space<vmem>>)
        %run_scoped3A = arith.constant 0 : i32
        %run_scoped3A_183 = arith.constant 0 : i32
        %run_scoped3A_184 = arith.constant 1 : i32
        "tpu.region"() ({
          %run_scoped3A_280 = tpu.sem_alloc : memref<!tpu.dma_semaphore, #tpu.memory_space<semaphore_mem>>
          %dma_start3A_281 = arith.constant 0 : i32
          %dma_start3A_282 = arith.constant 0 : i32
          %dma_start3A_283 = tpu.memref_slice %arg9[%run_scoped3A, %dma_start3A_281, %dma_start3A_282] : memref<2x64x128xf32, #tpu.memory_space<vmem>> -> memref<1x64x128xf32, #tpu.memory_space<vmem>>
          %dma_start3A_284 = tpu.memref_squeeze %dma_start3A_283 : memref<1x64x128xf32, #tpu.memory_space<vmem>> -> memref<64x128xf32, #tpu.memory_space<vmem>>
          %dma_start3A_285 = arith.constant 0 : i32
          %dma_start3A_286 = tpu.memref_slice %arg8[%run_scoped3A_183, %run_scoped3A_184, %dma_start3A_285] : memref<2x2x64xi32, #tpu.memory_space<vmem>> -> memref<1x1x64xi32, #tpu.memory_space<vmem>>
          %dma_start3A_287 = tpu.memref_squeeze %dma_start3A_286 : memref<1x1x64xi32, #tpu.memory_space<vmem>> -> memref<64xi32, #tpu.memory_space<vmem>>
          %dma_start3A_288 = arith.constant 0 : i32
          %dma_start3A_289 = arith.constant 0 : i32
          %dma_start3A_290 = tpu.memref_slice %arg7[%dma_start3A_288, %dma_start3A_289] : memref<10240x128xf32, #tpu.memory_space<vmem_shared>> -> memref<10240x128xf32, #tpu.memory_space<vmem_shared>>
          tpu.enqueue_indirect_dma source(%dma_start3A_284 : memref<64x128xf32, #tpu.memory_space<vmem>>) target(%dma_start3A_290 : memref<10240x128xf32, #tpu.memory_space<vmem_shared>>) offsets(%dma_start3A_287 : memref<64xi32, #tpu.memory_space<vmem>>) semaphore(%run_scoped3A_280 : memref<!tpu.dma_semaphore, #tpu.memory_space<semaphore_mem>>) {add = true}
          %dma_wait3A_291 = arith.constant 0 : i32
          %dma_wait3A_292 = arith.constant 0 : i32
          %dma_wait3A_293 = tpu.memref_slice %arg9[%run_scoped3A, %dma_wait3A_291, %dma_wait3A_292] : memref<2x64x128xf32, #tpu.memory_space<vmem>> -> memref<1x64x128xf32, #tpu.memory_space<vmem>>
          %dma_wait3A_294 = tpu.memref_squeeze %dma_wait3A_293 : memref<1x64x128xf32, #tpu.memory_space<vmem>> -> memref<64x128xf32, #tpu.memory_space<vmem>>
          %dma_wait3A_295 = arith.constant 0 : i32
          %dma_wait3A_296 = tpu.memref_slice %arg8[%run_scoped3A_183, %run_scoped3A_184, %dma_wait3A_295] : memref<2x2x64xi32, #tpu.memory_space<vmem>> -> memref<1x1x64xi32, #tpu.memory_space<vmem>>
          %dma_wait3A_297 = tpu.memref_squeeze %dma_wait3A_296 : memref<1x1x64xi32, #tpu.memory_space<vmem>> -> memref<64xi32, #tpu.memory_space<vmem>>
          %dma_wait3A_298 = arith.constant 0 : i32
          %dma_wait3A_299 = arith.constant 0 : i32
          %dma_wait3A_300 = tpu.memref_slice %arg7[%dma_wait3A_298, %dma_wait3A_299] : memref<10240x128xf32, #tpu.memory_space<vmem_shared>> -> memref<10240x128xf32, #tpu.memory_space<vmem_shared>>
          tpu.wait_indirect_dma semaphore(%run_scoped3A_280 : memref<!tpu.dma_semaphore, #tpu.memory_space<semaphore_mem>>) src(%dma_wait3A_294 : memref<64x128xf32, #tpu.memory_space<vmem>>) dst(%dma_wait3A_300 : memref<10240x128xf32, #tpu.memory_space<vmem_shared>>)
          tpu.yield
        }) : () -> ()
        %add3A_185 = arith.constant 2 : i32
        %add3A_186 = arith.addi %add3A_135, %add3A_185 : i32
        %add3A_187 = arith.addi %add3A_25, %add3A_186 : i32
        %dma_start3A_188 = arith.constant 0 : i32
        %dma_start3A_189 = arith.constant 0 : i32
        %dma_start3A_190 = arith.constant 0 : i32
        %dma_start3A_191 = tpu.memref_slice %arg8[%dma_start3A_188, %dma_start3A_189, %dma_start3A_190] : memref<2x2x64xi32, #tpu.memory_space<vmem>> -> memref<1x2x64xi32, #tpu.memory_space<vmem>>
        %dma_start3A_192 = tpu.memref_squeeze %dma_start3A_191 : memref<1x2x64xi32, #tpu.memory_space<vmem>> -> memref<2x64xi32, #tpu.memory_space<vmem>>
        %dma_start3A_193 = arith.constant 0 : i32
        %dma_start3A_194 = arith.constant 0 : i32
        %dma_start3A_195 = tpu.memref_slice %arg3[%add3A_187, %dma_start3A_193, %dma_start3A_194] : memref<5122x2x64xi32, #tpu.memory_space<hbm>> -> memref<1x2x64xi32, #tpu.memory_space<hbm>>
        %dma_start3A_196 = tpu.memref_squeeze %dma_start3A_195 : memref<1x2x64xi32, #tpu.memory_space<hbm>> -> memref<2x64xi32, #tpu.memory_space<hbm>>
        %dma_start3A_197 = arith.constant 0 : i32
        %dma_start3A_198 = arith.constant 0 : i32
        %dma_start3A_199 = tpu.memref_slice %arg8[%dma_start3A_188, %dma_start3A_197, %dma_start3A_198] : memref<2x2x64xi32, #tpu.memory_space<vmem>> -> memref<1x2x64xi32, #tpu.memory_space<vmem>>
        %dma_start3A_200 = tpu.memref_squeeze %dma_start3A_199 : memref<1x2x64xi32, #tpu.memory_space<vmem>> -> memref<2x64xi32, #tpu.memory_space<vmem>>
        %dma_start3A_201 = arith.constant 0 : i32
        %dma_start3A_202 = arith.constant 0 : i32
        %dma_start3A_203 = tpu.memref_slice %arg3[%add3A_187, %dma_start3A_201, %dma_start3A_202] : memref<5122x2x64xi32, #tpu.memory_space<hbm>> -> memref<1x2x64xi32, #tpu.memory_space<hbm>>
        %dma_start3A_204 = tpu.memref_squeeze %dma_start3A_203 : memref<1x2x64xi32, #tpu.memory_space<hbm>> -> memref<2x64xi32, #tpu.memory_space<hbm>>
        tpu.enqueue_dma source(%dma_start3A_204 : memref<2x64xi32, #tpu.memory_space<hbm>>) target(%dma_start3A_200 : memref<2x64xi32, #tpu.memory_space<vmem>>) target_semaphore(%arg10 : memref<!tpu.dma_semaphore, #tpu.memory_space<semaphore_mem>>)
        %mul3A_205 = arith.constant 2 : i32
        %mul3A_206 = arith.muli %scan3A_131, %mul3A_205 : i32
        %add3A_207 = arith.constant 1 : i32
        %add3A_208 = arith.addi %mul3A_206, %add3A_207 : i32
        %add3A_209 = arith.constant 2 : i32
        %add3A_210 = arith.addi %add3A_208, %add3A_209 : i32
        %sub3A_211 = arith.constant 1 : i32
        %sub3A_212 = arith.subi %add3A_210, %sub3A_211 : i32
        %add3A_213 = arith.addi %add3A_25, %sub3A_212 : i32
        %dma_wait3A_214 = arith.constant 0 : i32
        %dma_wait3A_215 = arith.constant 0 : i32
        %dma_wait3A_216 = arith.constant 0 : i32
        %dma_wait3A_217 = tpu.memref_slice %arg8[%dma_wait3A_214, %dma_wait3A_215, %dma_wait3A_216] : memref<2x2x64xi32, #tpu.memory_space<vmem>> -> memref<1x2x64xi32, #tpu.memory_space<vmem>>
        %dma_wait3A_218 = tpu.memref_squeeze %dma_wait3A_217 : memref<1x2x64xi32, #tpu.memory_space<vmem>> -> memref<2x64xi32, #tpu.memory_space<vmem>>
        %dma_wait3A_219 = arith.constant 0 : i32
        %dma_wait3A_220 = arith.constant 0 : i32
        %dma_wait3A_221 = tpu.memref_slice %arg3[%add3A_213, %dma_wait3A_219, %dma_wait3A_220] : memref<5122x2x64xi32, #tpu.memory_space<hbm>> -> memref<1x2x64xi32, #tpu.memory_space<hbm>>
        %dma_wait3A_222 = tpu.memref_squeeze %dma_wait3A_221 : memref<1x2x64xi32, #tpu.memory_space<hbm>> -> memref<2x64xi32, #tpu.memory_space<hbm>>
        %dma_wait3A_223 = arith.constant 0 : i32
        %dma_wait3A_224 = arith.constant 0 : i32
        %dma_wait3A_225 = tpu.memref_slice %arg8[%dma_wait3A_214, %dma_wait3A_223, %dma_wait3A_224] : memref<2x2x64xi32, #tpu.memory_space<vmem>> -> memref<1x2x64xi32, #tpu.memory_space<vmem>>
        %dma_wait3A_226 = tpu.memref_squeeze %dma_wait3A_225 : memref<1x2x64xi32, #tpu.memory_space<vmem>> -> memref<2x64xi32, #tpu.memory_space<vmem>>
        %dma_wait3A_227 = arith.constant 0 : i32
        %dma_wait3A_228 = arith.constant 0 : i32
        %dma_wait3A_229 = tpu.memref_slice %arg3[%add3A_213, %dma_wait3A_227, %dma_wait3A_228] : memref<5122x2x64xi32, #tpu.memory_space<hbm>> -> memref<1x2x64xi32, #tpu.memory_space<hbm>>
        %dma_wait3A_230 = tpu.memref_squeeze %dma_wait3A_229 : memref<1x2x64xi32, #tpu.memory_space<hbm>> -> memref<2x64xi32, #tpu.memory_space<hbm>>
        tpu.wait_dma2 semaphore(%arg10 : memref<!tpu.dma_semaphore, #tpu.memory_space<semaphore_mem>>) src(%dma_wait3A_230 : memref<2x64xi32, #tpu.memory_space<hbm>>) dst(%dma_wait3A_226 : memref<2x64xi32, #tpu.memory_space<vmem>>)
        %dma_start3A_231 = arith.constant 0 : i32
        %dma_start3A_232 = arith.constant 0 : i32
        %dma_start3A_233 = arith.constant 0 : i32
        %dma_start3A_234 = arith.constant 0 : i32
        %dma_start3A_235 = arith.constant 0 : i32
        %dma_start3A_236 = tpu.memref_slice %arg9[%dma_start3A_233, %dma_start3A_234, %dma_start3A_235] : memref<2x64x128xf32, #tpu.memory_space<vmem>> -> memref<1x64x128xf32, #tpu.memory_space<vmem>>
        %dma_start3A_237 = tpu.memref_squeeze %dma_start3A_236 : memref<1x64x128xf32, #tpu.memory_space<vmem>> -> memref<64x128xf32, #tpu.memory_space<vmem>>
        %dma_start3A_238 = arith.constant 0 : i32
        %dma_start3A_239 = tpu.memref_slice %arg8[%dma_start3A_231, %dma_start3A_232, %dma_start3A_238] : memref<2x2x64xi32, #tpu.memory_space<vmem>> -> memref<1x1x64xi32, #tpu.memory_space<vmem>>
        %dma_start3A_240 = tpu.memref_squeeze %dma_start3A_239 : memref<1x1x64xi32, #tpu.memory_space<vmem>> -> memref<64xi32, #tpu.memory_space<vmem>>
        %dma_start3A_241 = arith.constant 0 : i32
        %dma_start3A_242 = arith.constant 0 : i32
        %dma_start3A_243 = tpu.memref_slice %arg2[%dma_start3A_241, %dma_start3A_242] : memref<102400x128xf32, #tpu.memory_space<hbm>> -> memref<102400x128xf32, #tpu.memory_space<hbm>>
        tpu.enqueue_indirect_dma source(%dma_start3A_243 : memref<102400x128xf32, #tpu.memory_space<hbm>>) target(%dma_start3A_237 : memref<64x128xf32, #tpu.memory_space<vmem>>) offsets(%dma_start3A_240 : memref<64xi32, #tpu.memory_space<vmem>>) semaphore(%arg12 : memref<!tpu.dma_semaphore, #tpu.memory_space<semaphore_mem>>)
        %dma_wait3A_244 = arith.constant 1 : i32
        %dma_wait3A_245 = arith.constant 0 : i32
        %dma_wait3A_246 = arith.constant 1 : i32
        %dma_wait3A_247 = arith.constant 0 : i32
        %dma_wait3A_248 = arith.constant 0 : i32
        %dma_wait3A_249 = tpu.memref_slice %arg9[%dma_wait3A_246, %dma_wait3A_247, %dma_wait3A_248] : memref<2x64x128xf32, #tpu.memory_space<vmem>> -> memref<1x64x128xf32, #tpu.memory_space<vmem>>
        %dma_wait3A_250 = tpu.memref_squeeze %dma_wait3A_249 : memref<1x64x128xf32, #tpu.memory_space<vmem>> -> memref<64x128xf32, #tpu.memory_space<vmem>>
        %dma_wait3A_251 = arith.constant 0 : i32
        %dma_wait3A_252 = tpu.memref_slice %arg8[%dma_wait3A_244, %dma_wait3A_245, %dma_wait3A_251] : memref<2x2x64xi32, #tpu.memory_space<vmem>> -> memref<1x1x64xi32, #tpu.memory_space<vmem>>
        %dma_wait3A_253 = tpu.memref_squeeze %dma_wait3A_252 : memref<1x1x64xi32, #tpu.memory_space<vmem>> -> memref<64xi32, #tpu.memory_space<vmem>>
        %dma_wait3A_254 = arith.constant 0 : i32
        %dma_wait3A_255 = arith.constant 0 : i32
        %dma_wait3A_256 = tpu.memref_slice %arg2[%dma_wait3A_254, %dma_wait3A_255] : memref<102400x128xf32, #tpu.memory_space<hbm>> -> memref<102400x128xf32, #tpu.memory_space<hbm>>
        tpu.wait_indirect_dma semaphore(%arg13 : memref<!tpu.dma_semaphore, #tpu.memory_space<semaphore_mem>>) src(%dma_wait3A_256 : memref<102400x128xf32, #tpu.memory_space<hbm>>) dst(%dma_wait3A_250 : memref<64x128xf32, #tpu.memory_space<vmem>>)
        %run_scoped3A_257 = arith.constant 1 : i32
        %run_scoped3A_258 = arith.constant 1 : i32
        %run_scoped3A_259 = arith.constant 1 : i32
        "tpu.region"() ({
          %run_scoped3A_280 = tpu.sem_alloc : memref<!tpu.dma_semaphore, #tpu.memory_space<semaphore_mem>>
          %dma_start3A_281 = arith.constant 0 : i32
          %dma_start3A_282 = arith.constant 0 : i32
          %dma_start3A_283 = tpu.memref_slice %arg9[%run_scoped3A_257, %dma_start3A_281, %dma_start3A_282] : memref<2x64x128xf32, #tpu.memory_space<vmem>> -> memref<1x64x128xf32, #tpu.memory_space<vmem>>
          %dma_start3A_284 = tpu.memref_squeeze %dma_start3A_283 : memref<1x64x128xf32, #tpu.memory_space<vmem>> -> memref<64x128xf32, #tpu.memory_space<vmem>>
          %dma_start3A_285 = arith.constant 0 : i32
          %dma_start3A_286 = tpu.memref_slice %arg8[%run_scoped3A_258, %run_scoped3A_259, %dma_start3A_285] : memref<2x2x64xi32, #tpu.memory_space<vmem>> -> memref<1x1x64xi32, #tpu.memory_space<vmem>>
          %dma_start3A_287 = tpu.memref_squeeze %dma_start3A_286 : memref<1x1x64xi32, #tpu.memory_space<vmem>> -> memref<64xi32, #tpu.memory_space<vmem>>
          %dma_start3A_288 = arith.constant 0 : i32
          %dma_start3A_289 = arith.constant 0 : i32
          %dma_start3A_290 = tpu.memref_slice %arg7[%dma_start3A_288, %dma_start3A_289] : memref<10240x128xf32, #tpu.memory_space<vmem_shared>> -> memref<10240x128xf32, #tpu.memory_space<vmem_shared>>
          tpu.enqueue_indirect_dma source(%dma_start3A_284 : memref<64x128xf32, #tpu.memory_space<vmem>>) target(%dma_start3A_290 : memref<10240x128xf32, #tpu.memory_space<vmem_shared>>) offsets(%dma_start3A_287 : memref<64xi32, #tpu.memory_space<vmem>>) semaphore(%run_scoped3A_280 : memref<!tpu.dma_semaphore, #tpu.memory_space<semaphore_mem>>) {add = true}
          %dma_wait3A_291 = arith.constant 0 : i32
          %dma_wait3A_292 = arith.constant 0 : i32
          %dma_wait3A_293 = tpu.memref_slice %arg9[%run_scoped3A_257, %dma_wait3A_291, %dma_wait3A_292] : memref<2x64x128xf32, #tpu.memory_space<vmem>> -> memref<1x64x128xf32, #tpu.memory_space<vmem>>
          %dma_wait3A_294 = tpu.memref_squeeze %dma_wait3A_293 : memref<1x64x128xf32, #tpu.memory_space<vmem>> -> memref<64x128xf32, #tpu.memory_space<vmem>>
          %dma_wait3A_295 = arith.constant 0 : i32
          %dma_wait3A_296 = tpu.memref_slice %arg8[%run_scoped3A_258, %run_scoped3A_259, %dma_wait3A_295] : memref<2x2x64xi32, #tpu.memory_space<vmem>> -> memref<1x1x64xi32, #tpu.memory_space<vmem>>
          %dma_wait3A_297 = tpu.memref_squeeze %dma_wait3A_296 : memref<1x1x64xi32, #tpu.memory_space<vmem>> -> memref<64xi32, #tpu.memory_space<vmem>>
          %dma_wait3A_298 = arith.constant 0 : i32
          %dma_wait3A_299 = arith.constant 0 : i32
          %dma_wait3A_300 = tpu.memref_slice %arg7[%dma_wait3A_298, %dma_wait3A_299] : memref<10240x128xf32, #tpu.memory_space<vmem_shared>> -> memref<10240x128xf32, #tpu.memory_space<vmem_shared>>
          tpu.wait_indirect_dma semaphore(%run_scoped3A_280 : memref<!tpu.dma_semaphore, #tpu.memory_space<semaphore_mem>>) src(%dma_wait3A_294 : memref<64x128xf32, #tpu.memory_space<vmem>>) dst(%dma_wait3A_300 : memref<10240x128xf32, #tpu.memory_space<vmem_shared>>)
          tpu.yield
        }) : () -> ()
        %add3A_260 = arith.constant 2 : i32
        %add3A_261 = arith.addi %add3A_208, %add3A_260 : i32
        %add3A_262 = arith.addi %add3A_25, %add3A_261 : i32
        %dma_start3A_263 = arith.constant 1 : i32
        %dma_start3A_264 = arith.constant 0 : i32
        %dma_start3A_265 = arith.constant 0 : i32
        %dma_start3A_266 = tpu.memref_slice %arg8[%dma_start3A_263, %dma_start3A_264, %dma_start3A_265] : memref<2x2x64xi32, #tpu.memory_space<vmem>> -> memref<1x2x64xi32, #tpu.memory_space<vmem>>
        %dma_start3A_267 = tpu.memref_squeeze %dma_start3A_266 : memref<1x2x64xi32, #tpu.memory_space<vmem>> -> memref<2x64xi32, #tpu.memory_space<vmem>>
        %dma_start3A_268 = arith.constant 0 : i32
        %dma_start3A_269 = arith.constant 0 : i32
        %dma_start3A_270 = tpu.memref_slice %arg3[%add3A_262, %dma_start3A_268, %dma_start3A_269] : memref<5122x2x64xi32, #tpu.memory_space<hbm>> -> memref<1x2x64xi32, #tpu.memory_space<hbm>>
        %dma_start3A_271 = tpu.memref_squeeze %dma_start3A_270 : memref<1x2x64xi32, #tpu.memory_space<hbm>> -> memref<2x64xi32, #tpu.memory_space<hbm>>
        %dma_start3A_272 = arith.constant 0 : i32
        %dma_start3A_273 = arith.constant 0 : i32
        %dma_start3A_274 = tpu.memref_slice %arg8[%dma_start3A_263, %dma_start3A_272, %dma_start3A_273] : memref<2x2x64xi32, #tpu.memory_space<vmem>> -> memref<1x2x64xi32, #tpu.memory_space<vmem>>
        %dma_start3A_275 = tpu.memref_squeeze %dma_start3A_274 : memref<1x2x64xi32, #tpu.memory_space<vmem>> -> memref<2x64xi32, #tpu.memory_space<vmem>>
        %dma_start3A_276 = arith.constant 0 : i32
        %dma_start3A_277 = arith.constant 0 : i32
        %dma_start3A_278 = tpu.memref_slice %arg3[%add3A_262, %dma_start3A_276, %dma_start3A_277] : memref<5122x2x64xi32, #tpu.memory_space<hbm>> -> memref<1x2x64xi32, #tpu.memory_space<hbm>>
        %dma_start3A_279 = tpu.memref_squeeze %dma_start3A_278 : memref<1x2x64xi32, #tpu.memory_space<hbm>> -> memref<2x64xi32, #tpu.memory_space<hbm>>
        tpu.enqueue_dma source(%dma_start3A_279 : memref<2x64xi32, #tpu.memory_space<hbm>>) target(%dma_start3A_275 : memref<2x64xi32, #tpu.memory_space<vmem>>) target_semaphore(%arg11 : memref<!tpu.dma_semaphore, #tpu.memory_space<semaphore_mem>>)
      }
      %scan3A_98 = arith.constant 16 : i32
      %dma_wait3A_99 = arith.constant 0 : i32
      %dma_wait3A_100 = arith.constant 0 : i32
      %dma_wait3A_101 = arith.constant 0 : i32
      %dma_wait3A_102 = arith.constant 0 : i32
      %dma_wait3A_103 = arith.constant 0 : i32
      %dma_wait3A_104 = tpu.memref_slice %arg9[%dma_wait3A_101, %dma_wait3A_102, %dma_wait3A_103] : memref<2x64x128xf32, #tpu.memory_space<vmem>> -> memref<1x64x128xf32, #tpu.memory_space<vmem>>
      %dma_wait3A_105 = tpu.memref_squeeze %dma_wait3A_104 : memref<1x64x128xf32, #tpu.memory_space<vmem>> -> memref<64x128xf32, #tpu.memory_space<vmem>>
      %dma_wait3A_106 = arith.constant 0 : i32
      %dma_wait3A_107 = tpu.memref_slice %arg8[%dma_wait3A_99, %dma_wait3A_100, %dma_wait3A_106] : memref<2x2x64xi32, #tpu.memory_space<vmem>> -> memref<1x1x64xi32, #tpu.memory_space<vmem>>
      %dma_wait3A_108 = tpu.memref_squeeze %dma_wait3A_107 : memref<1x1x64xi32, #tpu.memory_space<vmem>> -> memref<64xi32, #tpu.memory_space<vmem>>
      %dma_wait3A_109 = arith.constant 0 : i32
      %dma_wait3A_110 = arith.constant 0 : i32
      %dma_wait3A_111 = tpu.memref_slice %arg2[%dma_wait3A_109, %dma_wait3A_110] : memref<102400x128xf32, #tpu.memory_space<hbm>> -> memref<102400x128xf32, #tpu.memory_space<hbm>>
      tpu.wait_indirect_dma semaphore(%arg12 : memref<!tpu.dma_semaphore, #tpu.memory_space<semaphore_mem>>) src(%dma_wait3A_111 : memref<102400x128xf32, #tpu.memory_space<hbm>>) dst(%dma_wait3A_105 : memref<64x128xf32, #tpu.memory_space<vmem>>)
      %add3A_112 = arith.constant 33 : i32
      %add3A_113 = arith.addi %add3A_25, %add3A_112 : i32
      %dma_wait3A_114 = arith.constant 1 : i32
      %dma_wait3A_115 = arith.constant 0 : i32
      %dma_wait3A_116 = arith.constant 0 : i32
      %dma_wait3A_117 = tpu.memref_slice %arg8[%dma_wait3A_114, %dma_wait3A_115, %dma_wait3A_116] : memref<2x2x64xi32, #tpu.memory_space<vmem>> -> memref<1x2x64xi32, #tpu.memory_space<vmem>>
      %dma_wait3A_118 = tpu.memref_squeeze %dma_wait3A_117 : memref<1x2x64xi32, #tpu.memory_space<vmem>> -> memref<2x64xi32, #tpu.memory_space<vmem>>
      %dma_wait3A_119 = arith.constant 0 : i32
      %dma_wait3A_120 = arith.constant 0 : i32
      %dma_wait3A_121 = tpu.memref_slice %arg3[%add3A_113, %dma_wait3A_119, %dma_wait3A_120] : memref<5122x2x64xi32, #tpu.memory_space<hbm>> -> memref<1x2x64xi32, #tpu.memory_space<hbm>>
      %dma_wait3A_122 = tpu.memref_squeeze %dma_wait3A_121 : memref<1x2x64xi32, #tpu.memory_space<hbm>> -> memref<2x64xi32, #tpu.memory_space<hbm>>
      %dma_wait3A_123 = arith.constant 0 : i32
      %dma_wait3A_124 = arith.constant 0 : i32
      %dma_wait3A_125 = tpu.memref_slice %arg8[%dma_wait3A_114, %dma_wait3A_123, %dma_wait3A_124] : memref<2x2x64xi32, #tpu.memory_space<vmem>> -> memref<1x2x64xi32, #tpu.memory_space<vmem>>
      %dma_wait3A_126 = tpu.memref_squeeze %dma_wait3A_125 : memref<1x2x64xi32, #tpu.memory_space<vmem>> -> memref<2x64xi32, #tpu.memory_space<vmem>>
      %dma_wait3A_127 = arith.constant 0 : i32
      %dma_wait3A_128 = arith.constant 0 : i32
      %dma_wait3A_129 = tpu.memref_slice %arg3[%add3A_113, %dma_wait3A_127, %dma_wait3A_128] : memref<5122x2x64xi32, #tpu.memory_space<hbm>> -> memref<1x2x64xi32, #tpu.memory_space<hbm>>
      %dma_wait3A_130 = tpu.memref_squeeze %dma_wait3A_129 : memref<1x2x64xi32, #tpu.memory_space<hbm>> -> memref<2x64xi32, #tpu.memory_space<hbm>>
      tpu.wait_dma2 semaphore(%arg11 : memref<!tpu.dma_semaphore, #tpu.memory_space<semaphore_mem>>) src(%dma_wait3A_130 : memref<2x64xi32, #tpu.memory_space<hbm>>) dst(%dma_wait3A_126 : memref<2x64xi32, #tpu.memory_space<vmem>>)
    } else {
    }
    %barrier3A_11 = arith.constant 0 : index
    tpu.barrier barrier_id(%barrier3A_11)
    %eq3A_12 = arith.constant 0 : i32
    %eq3A_13 = arith.cmpi eq, %arg0, %eq3A_12 : i32
    %convert_element_type3A_14 = arith.extui %eq3A_13 : i1 to i32
    %cond3A_15 = arith.constant 0 : i32
    %cond3A_16 = arith.cmpi ne, %convert_element_type3A_14, %cond3A_15 : i32
    scf.if %cond3A_16 {
      "tpu.region"() ({
        %run_scoped3A = tpu.sem_alloc : memref<!tpu.dma_semaphore, #tpu.memory_space<semaphore_mem>>
        %dma_start3A = arith.constant 0 : i32
        %dma_start3A_22 = tpu.memref_slice %arg5[%mul3A_0, %dma_start3A] : memref<10240x128xf32, #tpu.memory_space<hbm>> -> memref<640x128xf32, #tpu.memory_space<hbm>>
        %dma_start3A_23 = arith.constant 0 : i32
        %dma_start3A_24 = tpu.memref_slice %arg7[%mul3A_0, %dma_start3A_23] : memref<10240x128xf32, #tpu.memory_space<vmem_shared>> -> memref<640x128xf32, #tpu.memory_space<vmem_shared>>
        tpu.enqueue_dma source(%dma_start3A_24 : memref<640x128xf32, #tpu.memory_space<vmem_shared>>) target(%dma_start3A_22 : memref<640x128xf32, #tpu.memory_space<hbm>>) target_semaphore(%run_scoped3A : memref<!tpu.dma_semaphore, #tpu.memory_space<semaphore_mem>>)
        %dma_wait3A = arith.constant 0 : i32
        %dma_wait3A_25 = tpu.memref_slice %arg5[%mul3A_0, %dma_wait3A] : memref<10240x128xf32, #tpu.memory_space<hbm>> -> memref<640x128xf32, #tpu.memory_space<hbm>>
        %dma_wait3A_26 = arith.constant 0 : i32
        %dma_wait3A_27 = tpu.memref_slice %arg7[%mul3A_0, %dma_wait3A_26] : memref<10240x128xf32, #tpu.memory_space<vmem_shared>> -> memref<640x128xf32, #tpu.memory_space<vmem_shared>>
        tpu.wait_dma2 semaphore(%run_scoped3A : memref<!tpu.dma_semaphore, #tpu.memory_space<semaphore_mem>>) src(%dma_wait3A_27 : memref<640x128xf32, #tpu.memory_space<vmem_shared>>) dst(%dma_wait3A_25 : memref<640x128xf32, #tpu.memory_space<hbm>>)
        tpu.yield
      }) : () -> ()
    } else {
    }
    %ne3A_17 = arith.constant 0 : i32
    %ne3A_18 = arith.cmpi ne, %arg0, %ne3A_17 : i32
    %convert_element_type3A_19 = arith.extui %ne3A_18 : i1 to i32
    %cond3A_20 = arith.constant 0 : i32
    %cond3A_21 = arith.cmpi ne, %convert_element_type3A_19, %cond3A_20 : i32
    scf.if %cond3A_21 {
      "tpu.region"() ({
        %run_scoped3A = tpu.sem_alloc : memref<!tpu.dma_semaphore, #tpu.memory_space<semaphore_mem>>
        %dma_start3A = arith.constant 0 : i32
        %dma_start3A_22 = tpu.memref_slice %arg6[%mul3A_0, %dma_start3A] : memref<10240x128xf32, #tpu.memory_space<hbm>> -> memref<640x128xf32, #tpu.memory_space<hbm>>
        %dma_start3A_23 = arith.constant 0 : i32
        %dma_start3A_24 = tpu.memref_slice %arg7[%mul3A_0, %dma_start3A_23] : memref<10240x128xf32, #tpu.memory_space<vmem_shared>> -> memref<640x128xf32, #tpu.memory_space<vmem_shared>>
        tpu.enqueue_dma source(%dma_start3A_24 : memref<640x128xf32, #tpu.memory_space<vmem_shared>>) target(%dma_start3A_22 : memref<640x128xf32, #tpu.memory_space<hbm>>) target_semaphore(%run_scoped3A : memref<!tpu.dma_semaphore, #tpu.memory_space<semaphore_mem>>)
        %dma_wait3A = arith.constant 0 : i32
        %dma_wait3A_25 = tpu.memref_slice %arg6[%mul3A_0, %dma_wait3A] : memref<10240x128xf32, #tpu.memory_space<hbm>> -> memref<640x128xf32, #tpu.memory_space<hbm>>
        %dma_wait3A_26 = arith.constant 0 : i32
        %dma_wait3A_27 = tpu.memref_slice %arg7[%mul3A_0, %dma_wait3A_26] : memref<10240x128xf32, #tpu.memory_space<vmem_shared>> -> memref<640x128xf32, #tpu.memory_space<vmem_shared>>
        tpu.wait_dma2 semaphore(%run_scoped3A : memref<!tpu.dma_semaphore, #tpu.memory_space<semaphore_mem>>) src(%dma_wait3A_27 : memref<640x128xf32, #tpu.memory_space<vmem_shared>>) dst(%dma_wait3A_25 : memref<640x128xf32, #tpu.memory_space<hbm>>)
        tpu.yield
      }) : () -> ()
    } else {
    }
    return
  }
}

module attributes {stable_mosaic.version = 14 : i64} {
  func.func @_pack_body(%arg0: i32, %arg1: memref<256x64xi32, #tpu.memory_space<vmem>>, %arg2: memref<256x64xi32, #tpu.memory_space<vmem>>, %arg3: memref<256x64xi32, #tpu.memory_space<vmem>>, %arg4: memref<256x2x64xi32, #tpu.memory_space<vmem>>) attributes {dimension_semantics = [#tpu.dimension_semantics<arbitrary>], iteration_bounds = array<i64: 20>, scalar_prefetch = 0 : i64, scratch_operands = 0 : i64, tpu.core_type = #tpu.core_type<tc>, window_params = [{transform_indices = @transform_0, window_bounds = array<i64: 256, 64>}, {transform_indices = @transform_1, window_bounds = array<i64: 256, 64>}, {transform_indices = @transform_2, window_bounds = array<i64: 256, 64>}, {transform_indices = @transform_3, window_bounds = array<i64: 256, 2, 64>}]} {
    %get3A = arith.constant 0 : index
    %get3A_0 = arith.constant 0 : index
    %get3A_1 = vector.load %arg1[%get3A, %get3A_0] : memref<256x64xi32, #tpu.memory_space<vmem>>, vector<256x64xi32>
    %mul3A = arith.constant 10240 : i32
    %mul3A_2 = vector.broadcast %mul3A : i32 to vector<256x64xi32>
    %mul3A_3 = arith.muli %get3A_1, %mul3A_2 : vector<256x64xi32>
    %get3A_4 = arith.constant 0 : index
    %get3A_5 = arith.constant 0 : index
    %get3A_6 = vector.load %arg2[%get3A_4, %get3A_5] : memref<256x64xi32, #tpu.memory_space<vmem>>, vector<256x64xi32>
    %add3A = arith.addi %mul3A_3, %get3A_6 : vector<256x64xi32>
    %reshape3A = vector.shape_cast %add3A : vector<256x64xi32> to vector<256x1x64xi32>
    %get3A_7 = arith.constant 0 : index
    %get3A_8 = arith.constant 0 : index
    %get3A_9 = vector.load %arg3[%get3A_7, %get3A_8] : memref<256x64xi32, #tpu.memory_space<vmem>>, vector<256x64xi32>
    %reshape3A_10 = vector.shape_cast %get3A_9 : vector<256x64xi32> to vector<256x1x64xi32>
    %concatenate3A = tpu.concatenate %reshape3A, %reshape3A_10 in 1 : vector<256x1x64xi32>, vector<256x1x64xi32> -> vector<256x2x64xi32>
    %swap3A = arith.constant 0 : index
    %swap3A_11 = arith.constant 0 : index
    %swap3A_12 = arith.constant 0 : index
    %swap3A_13 = vector.load %arg4[%swap3A, %swap3A_11, %swap3A_12] : memref<256x2x64xi32, #tpu.memory_space<vmem>>, vector<256x2x64xi32>
    tpu.vector_store %arg4[%swap3A, %swap3A_11, %swap3A_12], %concatenate3A {strides = array<i32>} : memref<256x2x64xi32, #tpu.memory_space<vmem>>, vector<256x2x64xi32>,
    return
  }
  func.func @transform_0(%arg0: i32) -> (i32, i32) {
    %c0_i32 = arith.constant 0 : i32
    %c0_i32_0 = arith.constant 0 : i32
    return %arg0, %c0_i32 : i32, i32
  }
  func.func @transform_1(%arg0: i32) -> (i32, i32) {
    %c0_i32 = arith.constant 0 : i32
    %c0_i32_0 = arith.constant 0 : i32
    return %arg0, %c0_i32 : i32, i32
  }
  func.func @transform_2(%arg0: i32) -> (i32, i32) {
    %c0_i32 = arith.constant 0 : i32
    %c0_i32_0 = arith.constant 0 : i32
    return %arg0, %c0_i32 : i32, i32
  }
  func.func @transform_3(%arg0: i32) -> (i32, i32, i32) {
    %c0_i32 = arith.constant 0 : i32
    %c0_i32_0 = arith.constant 0 : i32
    %c0_i32_1 = arith.constant 0 : i32
    return %arg0, %c0_i32, %c0_i32_0 : i32, i32, i32
  }
}

module attributes {stable_mosaic.version = 14 : i64} {
  func.func @_transform_body(%arg0: i32, %arg1: i32, %arg2: memref<10x5xf32, #tpu.memory_space<smem>>, %arg3: memref<5x128x128xf32, #tpu.memory_space<vmem>>, %arg4: memref<1024x128xf32, #tpu.memory_space<vmem>>, %arg5: memref<1x1024x128xf32, #tpu.memory_space<vmem>>) attributes {dimension_semantics = [#tpu.dimension_semantics<arbitrary>, #tpu.dimension_semantics<arbitrary>], iteration_bounds = array<i64: 10, 10>, scalar_prefetch = 0 : i64, scratch_operands = 0 : i64, tpu.core_type = #tpu.core_type<tc>, window_params = [{transform_indices = @transform_0, window_bounds = array<i64: 10, 5>}, {pipeline_mode = #tpu.pipeline_mode<synchronous>, transform_indices = @transform_1, window_bounds = array<i64: 5, 128, 128>}, {transform_indices = @transform_2, window_bounds = array<i64: 1024, 128>}, {transform_indices = @transform_3, window_bounds = array<i64: 1, 1024, 128>}]} {
    %get3A = arith.index_cast %arg0 : i32 to index
    %get3A_0 = arith.constant 0 : index
    %get3A_1 = memref.load %arg2[%get3A, %get3A_0] : memref<10x5xf32, #tpu.memory_space<smem>>
    %get3A_2 = arith.constant 0 : index
    %get3A_3 = arith.constant 0 : index
    %get3A_4 = arith.constant 0 : index
    %get3A_5 = vector.load %arg3[%get3A_2, %get3A_3, %get3A_4] : memref<5x128x128xf32, #tpu.memory_space<vmem>>, vector<1x128x128xf32>
    %get3A_6 = vector.shape_cast %get3A_5 : vector<1x128x128xf32> to vector<128x128xf32>
    %mul3A = vector.broadcast %get3A_1 : f32 to vector<128x128xf32>
    %mul3A_7 = arith.mulf %mul3A, %get3A_6 : vector<128x128xf32>
    %get3A_8 = arith.index_cast %arg0 : i32 to index
    %get3A_9 = arith.constant 1 : index
    %get3A_10 = memref.load %arg2[%get3A_8, %get3A_9] : memref<10x5xf32, #tpu.memory_space<smem>>
    %get3A_11 = arith.constant 1 : index
    %get3A_12 = arith.constant 0 : index
    %get3A_13 = arith.constant 0 : index
    %get3A_14 = vector.load %arg3[%get3A_11, %get3A_12, %get3A_13] : memref<5x128x128xf32, #tpu.memory_space<vmem>>, vector<1x128x128xf32>
    %get3A_15 = vector.shape_cast %get3A_14 : vector<1x128x128xf32> to vector<128x128xf32>
    %mul3A_16 = vector.broadcast %get3A_10 : f32 to vector<128x128xf32>
    %mul3A_17 = arith.mulf %mul3A_16, %get3A_15 : vector<128x128xf32>
    %add3A = arith.addf %mul3A_7, %mul3A_17 : vector<128x128xf32>
    %get3A_18 = arith.index_cast %arg0 : i32 to index
    %get3A_19 = arith.constant 2 : index
    %get3A_20 = memref.load %arg2[%get3A_18, %get3A_19] : memref<10x5xf32, #tpu.memory_space<smem>>
    %get3A_21 = arith.constant 2 : index
    %get3A_22 = arith.constant 0 : index
    %get3A_23 = arith.constant 0 : index
    %get3A_24 = vector.load %arg3[%get3A_21, %get3A_22, %get3A_23] : memref<5x128x128xf32, #tpu.memory_space<vmem>>, vector<1x128x128xf32>
    %get3A_25 = vector.shape_cast %get3A_24 : vector<1x128x128xf32> to vector<128x128xf32>
    %mul3A_26 = vector.broadcast %get3A_20 : f32 to vector<128x128xf32>
    %mul3A_27 = arith.mulf %mul3A_26, %get3A_25 : vector<128x128xf32>
    %add3A_28 = arith.addf %add3A, %mul3A_27 : vector<128x128xf32>
    %get3A_29 = arith.index_cast %arg0 : i32 to index
    %get3A_30 = arith.constant 3 : index
    %get3A_31 = memref.load %arg2[%get3A_29, %get3A_30] : memref<10x5xf32, #tpu.memory_space<smem>>
    %get3A_32 = arith.constant 3 : index
    %get3A_33 = arith.constant 0 : index
    %get3A_34 = arith.constant 0 : index
    %get3A_35 = vector.load %arg3[%get3A_32, %get3A_33, %get3A_34] : memref<5x128x128xf32, #tpu.memory_space<vmem>>, vector<1x128x128xf32>
    %get3A_36 = vector.shape_cast %get3A_35 : vector<1x128x128xf32> to vector<128x128xf32>
    %mul3A_37 = vector.broadcast %get3A_31 : f32 to vector<128x128xf32>
    %mul3A_38 = arith.mulf %mul3A_37, %get3A_36 : vector<128x128xf32>
    %add3A_39 = arith.addf %add3A_28, %mul3A_38 : vector<128x128xf32>
    %get3A_40 = arith.index_cast %arg0 : i32 to index
    %get3A_41 = arith.constant 4 : index
    %get3A_42 = memref.load %arg2[%get3A_40, %get3A_41] : memref<10x5xf32, #tpu.memory_space<smem>>
    %get3A_43 = arith.constant 4 : index
    %get3A_44 = arith.constant 0 : index
    %get3A_45 = arith.constant 0 : index
    %get3A_46 = vector.load %arg3[%get3A_43, %get3A_44, %get3A_45] : memref<5x128x128xf32, #tpu.memory_space<vmem>>, vector<1x128x128xf32>
    %get3A_47 = vector.shape_cast %get3A_46 : vector<1x128x128xf32> to vector<128x128xf32>
    %mul3A_48 = vector.broadcast %get3A_42 : f32 to vector<128x128xf32>
    %mul3A_49 = arith.mulf %mul3A_48, %get3A_47 : vector<128x128xf32>
    %add3A_50 = arith.addf %add3A_39, %mul3A_49 : vector<128x128xf32>
    %get3A_51 = arith.constant 0 : index
    %get3A_52 = arith.constant 0 : index
    %get3A_53 = vector.load %arg4[%get3A_51, %get3A_52] : memref<1024x128xf32, #tpu.memory_space<vmem>>, vector<1024x128xf32>
    %dot_general3A = arith.constant dense<0.000000e+00> : vector<1024x128xf32>
    %dot_general3A_54 = tpu.matmul %get3A_53, %add3A_50, %dot_general3A {dimension_numbers = #tpu.dot_dimension_numbers<[1], [0], [0], [1], [0, 0, 1, 1], [], []>, transpose_lhs_hint = false} : vector<1024x128xf32>, vector<128x128xf32>, vector<1024x128xf32> -> vector<1024x128xf32>
    %swap3A = arith.constant 0 : index
    %swap3A_55 = arith.constant 0 : index
    %swap3A_56 = arith.constant 0 : index
    %swap3A_57 = vector.load %arg5[%swap3A, %swap3A_55, %swap3A_56] : memref<1x1024x128xf32, #tpu.memory_space<vmem>>, vector<1x1024x128xf32>
    %swap3A_58 = vector.shape_cast %swap3A_57 : vector<1x1024x128xf32> to vector<1024x128xf32>
    %swap3A_59 = vector.shape_cast %dot_general3A_54 : vector<1024x128xf32> to vector<1x1024x128xf32>
    tpu.vector_store %arg5[%swap3A, %swap3A_55, %swap3A_56], %swap3A_59 {strides = array<i32>} : memref<1x1024x128xf32, #tpu.memory_space<vmem>>, vector<1x1024x128xf32>,
    return
  }
  func.func @transform_0(%arg0: i32, %arg1: i32) -> (i32, i32) {
    %c0_i32 = arith.constant 0 : i32
    %c0_i32_0 = arith.constant 0 : i32
    %c0_i32_1 = arith.constant 0 : i32
    return %c0_i32, %c0_i32_0 : i32, i32
  }
  func.func @transform_1(%arg0: i32, %arg1: i32) -> (i32, i32, i32) {
    %c0_i32 = arith.constant 0 : i32
    %c0_i32_0 = arith.constant 0 : i32
    %c0_i32_1 = arith.constant 0 : i32
    %c0_i32_2 = arith.constant 0 : i32
    return %c0_i32, %c0_i32_0, %c0_i32_1 : i32, i32, i32
  }
  func.func @transform_2(%arg0: i32, %arg1: i32) -> (i32, i32) {
    %c0_i32 = arith.constant 0 : i32
    %c0_i32_0 = arith.constant 0 : i32
    return %arg1, %c0_i32 : i32, i32
  }
  func.func @transform_3(%arg0: i32, %arg1: i32) -> (i32, i32, i32) {
    %c0_i32 = arith.constant 0 : i32
    %c0_i32_0 = arith.constant 0 : i32
    return %arg0, %arg1, %c0_i32 : i32, i32, i32
  }
}

module attributes {stable_mosaic.version = 14 : i64} {
  func.func @_combine_body(%arg0: i32, %arg1: memref<1024x128xf32, #tpu.memory_space<vmem>>, %arg2: memref<1024x128xf32, #tpu.memory_space<vmem>>, %arg3: memref<1024x128xf32, #tpu.memory_space<vmem>>) attributes {dimension_semantics = [#tpu.dimension_semantics<arbitrary>], iteration_bounds = array<i64: 10>, scalar_prefetch = 0 : i64, scratch_operands = 0 : i64, tpu.core_type = #tpu.core_type<tc>, window_params = [{transform_indices = @transform_0, window_bounds = array<i64: 1024, 128>}, {transform_indices = @transform_1, window_bounds = array<i64: 1024, 128>}, {transform_indices = @transform_2, window_bounds = array<i64: 1024, 128>}]} {
    %get3A = arith.constant 0 : index
    %get3A_0 = arith.constant 0 : index
    %get3A_1 = vector.load %arg1[%get3A, %get3A_0] : memref<1024x128xf32, #tpu.memory_space<vmem>>, vector<1024x128xf32>
    %get3A_2 = arith.constant 0 : index
    %get3A_3 = arith.constant 0 : index
    %get3A_4 = vector.load %arg2[%get3A_2, %get3A_3] : memref<1024x128xf32, #tpu.memory_space<vmem>>, vector<1024x128xf32>
    %add3A = arith.addf %get3A_1, %get3A_4 : vector<1024x128xf32>
    %max3A = arith.constant 0.000000e+00 : f32
    %max3A_5 = vector.broadcast %max3A : f32 to vector<1024x128xf32>
    %max3A_6 = arith.maximumf %add3A, %max3A_5 : vector<1024x128xf32>
    %swap3A = arith.constant 0 : index
    %swap3A_7 = arith.constant 0 : index
    %swap3A_8 = vector.load %arg3[%swap3A, %swap3A_7] : memref<1024x128xf32, #tpu.memory_space<vmem>>, vector<1024x128xf32>
    tpu.vector_store %arg3[%swap3A, %swap3A_7], %max3A_6 {strides = array<i32>} : memref<1024x128xf32, #tpu.memory_space<vmem>>, vector<1024x128xf32>,
    return
  }
  func.func @transform_0(%arg0: i32) -> (i32, i32) {
    %c0_i32 = arith.constant 0 : i32
    %c0_i32_0 = arith.constant 0 : i32
    return %arg0, %c0_i32 : i32, i32
  }
  func.func @transform_1(%arg0: i32) -> (i32, i32) {
    %c0_i32 = arith.constant 0 : i32
    %c0_i32_0 = arith.constant 0 : i32
    return %arg0, %c0_i32 : i32, i32
  }
  func.func @transform_2(%arg0: i32) -> (i32, i32) {
    %c0_i32 = arith.constant 0 : i32
    %c0_i32_0 = arith.constant 0 : i32
    return %arg0, %c0_i32 : i32, i32
  }
}

</mosaic_0001>

<sc_bundles>
// kernel: kernel.6.cloned.1.call-start
scs
__scs_entry_jumppad:
0x0: {  	(pc) =	sbr.rel $0x88, $3  }
0x1: {  	(tag) =	ssettag $0x0;
	lr =	simm.s32 $0x1  }
0x2: {  	[smem:$0x3F9B] =	sst lr;
	_ =	strace $0xD0000000  }
0x3: {  	_ = 	snop  }
0x4: {  	_ = 	snop  }
0x5: {  	_ = 	snop  }
0x6: {  	_ = 	snop  }
0x7: {  	_ = 	snop  }
__scs_overlays_trampoline_lowered:
0x8: {  	[smem:$0x3FAA] =	sst s0  }
0x9: {  	[smem:$0x3FAB] =	sst s1  }
0xa: {  	[smem:$0x3FAC] =	sst s2  }
0xb: {  	[smem:$0x3FAD] =	sst s3  }
0xc: {  	[smem:$0x3FAE] =	sst s4  }
0xd: {  	[smem:$0x3FAF] =	sst s5  }
0xe: {  	[smem:$0x3FB0] =	sst s6  }
0xf: {  	[smem:$0x3FB1] =	sst s7  }
0x10: {  	[smem:$0x3FB2] =	sst s8  }
0x11: {  	[smem:$0x3FB3] =	sst s9;
	s0 =	simm.s32 @!p0 $0x0  }
0x12: {  	s1 =	sld [smem:$0x3F99];
	s0 =	simm.s32 @p0 $0x1  }
0x13: {  	[smem:$0x3FB4] =	sst s0;
	s0 =	simm.s32 @!p1 $0x0  }
0x14: {  	s2 =	sld [smem:$0x3F98];
	s0 =	simm.s32 @p1 $0x1  }
0x15: {  	[smem:$0x3FB5] =	sst s0;
	s0 =	simm.s32 @!p2 $0x0  }
0x16: {  	s3 =	sld [smem:$0x3FDB];
	s0 =	simm.s32 @p2 $0x1  }
0x17: {  	s4 =	simm.s32 $0x1BF5;
	[smem:$0x3FB7] =	sst s0  }
0x18: {  	s0 =	sld [smem:$0x3F9A];
	_ =	swait.ge [sflag:s4], $0x0  }
0x19: {  	s7 =	sld [smem:$0x3F9B]  }
0x1a: {  	s8 =	sadd.s32 $0xFFFFE003, lr  }
0x1b: {  	s9 =	sadd.s32 $0xFFFFFEF7, lr;
	s5 =	simm.s32 $0xFFFFFFFF;
	p2 =	slt.u32 s8, $0xFFFFF086  }
0x1c: {  	p1 =	slt.u32 s9, $0xF7A;
	s5 =	simm.s32 @!p2 $0x0  }
0x1d: {  	s5 =	simm.s32 @p1 $0x1;
	p0 =	seq.s32 s7, s2  }
0x1e: {  	s7 =	smul.u32 @!p0 $0xF7A, s2;
	p2 =	seq.s32 @!p0 s5, $0x0  }
0x1f: {  	s9 =	smul.u32 $0xF7A, s1;
	s8 =	simm.s32 @!p0 $0x1BF5;
	p2 =	por !p2, p0  }
0x20: {  	[sflag:s8] =	ssyncset.s32 @!p0 $0xFFFFF086;
	s6 =	sadd.s32 @!p0 s3, s7;
	s7 =	simm.s32 @!p0 $0x108  }
0x21: {  	s3 =	sadd.s32 s3, s9;
	s6 =	sadd.s32 @!p0 $0x88, s6;
	s7 =	simm.s32 @p2 $0x1082  }
0x22: {  	[simem:s7], [sflag:s8] =	dma.local @!p0 [hbm:s6], $0xF7A  }
0x23: {  	s9 =	sor.u32 $0xD0000000, s2;
	s6 =	simm.s32 $0x108;
	_ =	swait.ge @!p0 [sflag:s8], $0x0  }
0x24: {  	s3 =	sadd.s32 $0x88, s3;
	s6 =	simm.s32 @!p1 $0x1082;
	[sflag:s4] =	ssyncset.s32 $0xFFFFF086  }
0x25: {  	[simem:s6], [sflag:s4] =	dma.local [hbm:s3], $0xF7A  }
0x26: {  	[smem:$0x3F9B] =	sst s1;
	(tag) =	ssettag s2;
	_ =	strace s9  }
0x27: {  	s1 =	sld [smem:$0x3FAB]  }
0x28: {  	s2 =	sld [smem:$0x3FAC]  }
0x29: {  	s4 =	sld [smem:$0x3FAE]  }
0x2a: {  	p0 =	seq.s32 s5, $0x0;
	s5 =	sld [smem:$0x3FAF]  }
0x2b: {  	s6 =	sld [smem:$0x3FB0]  }
0x2c: {  	s7 =	sld [smem:$0x3FB1]  }
0x2d: {  	s3 =	simm.s32 $0x108;
	s8 =	sld [smem:$0x3FB2]  }
0x2e: {  	s3 =	simm.s32 @!p0 $0x1082;
	s9 =	sld [smem:$0x3FB3]  }
0x2f: {  	lr =	sadd.s32 s0, s3;
	s0 =	sld [smem:$0x3FAA]  }
0x30: {  	s3 =	sld [smem:$0x3FAD]  }
0x31: {  	[smem:$0x3FB6] =	sst s10  }
0x32: {  	s10 =	sld [smem:$0x3FB4];
	_ =	sdelay $0x3  }
0x33: {  	p0 =	seq.s32 s10, $0x1;
	s10 =	sld [smem:$0x3FB6];
	_ =	sdelay $0x3  }
0x34: {  	[smem:$0x3FB6] =	sst s10  }
0x35: {  	s10 =	sld [smem:$0x3FB5];
	_ =	sdelay $0x3  }
0x36: {  	p1 =	seq.s32 s10, $0x1;
	s10 =	sld [smem:$0x3FB6];
	_ =	sdelay $0x3  }
0x37: {  	[smem:$0x3FB6] =	sst s10  }
0x38: {  	s10 =	sld [smem:$0x3FB7]  }
0x39: {  	_ = 	snop;
	(pc) =	sbr.ind lr, $3  }
0x3a: {  	_ = 	snop  }
0x3b: {  	_ = 	snop  }
0x3c: {  	p2 =	seq.s32 s10, $0x1;
	s10 =	sld [smem:$0x3FB6]  }
0x3d: {  	_ =	shalt  }
0x3e: {  	_ =	shalt  }
0x3f: {  	_ =	shalt  }
0x40: {  	_ =	shalt  }
0x41: {  	_ =	shalt  }
0x42: {  	_ =	shalt  }
0x43: {  	_ =	shalt  }
0x44: {  	_ =	shalt  }
0x45: {  	_ =	shalt  }
0x46: {  	_ =	shalt  }
0x47: {  	_ =	shalt  }
0x48: {  	_ =	shalt  }
0x49: {  	_ =	shalt  }
0x4a: {  	_ =	shalt  }
0x4b: {  	_ =	shalt  }
0x4c: {  	_ =	shalt  }
0x4d: {  	_ =	shalt  }
0x4e: {  	_ =	shalt  }
0x4f: {  	_ =	shalt  }
0x50: {  	_ =	shalt  }
0x51: {  	_ =	shalt  }
0x52: {  	_ =	shalt  }
0x53: {  	_ =	shalt  }
0x54: {  	_ =	shalt  }
0x55: {  	_ =	shalt  }
0x56: {  	_ =	shalt  }
0x57: {  	_ =	shalt  }
0x58: {  	_ =	shalt  }
0x59: {  	_ =	shalt  }
0x5a: {  	_ =	shalt  }
0x5b: {  	_ =	shalt  }
0x5c: {  	_ =	shalt  }
0x5d: {  	_ =	shalt  }
0x5e: {  	_ =	shalt  }
0x5f: {  	_ =	shalt  }
0x60: {  	_ =	shalt  }
0x61: {  	_ =	shalt  }
0x62: {  	_ =	shalt  }
0x63: {  	_ =	shalt  }
0x64: {  	_ =	shalt  }
0x65: {  	_ =	shalt  }
0x66: {  	_ =	shalt  }
0x67: {  	_ =	shalt  }
0x68: {  	_ =	shalt  }
0x69: {  	_ =	shalt  }
0x6a: {  	_ =	shalt  }
0x6b: {  	_ =	shalt  }
0x6c: {  	_ =	shalt  }
0x6d: {  	_ =	shalt  }
0x6e: {  	_ =	shalt  }
0x6f: {  	_ =	shalt  }
0x70: {  	_ =	shalt  }
0x71: {  	_ =	shalt  }
0x72: {  	_ =	shalt  }
0x73: {  	_ =	shalt  }
0x74: {  	_ =	shalt  }
0x75: {  	_ =	shalt  }
0x76: {  	_ =	shalt  }
0x77: {  	_ =	shalt  }
0x78: {  	_ =	shalt  }
0x79: {  	_ =	shalt  }
0x7a: {  	_ =	shalt  }
0x7b: {  	_ =	shalt  }
0x7c: {  	_ =	shalt  }
0x7d: {  	_ =	shalt  }
0x7e: {  	_ =	shalt  }
0x7f: {  	_ =	shalt  }
0x80: {  	_ =	shalt  }
0x81: {  	_ =	shalt  }
0x82: {  	_ =	shalt  }
0x83: {  	_ =	shalt  }
0x84: {  	_ =	shalt  }
0x85: {  	_ =	shalt  }
0x86: {  	_ =	shalt  }
0x87: {  	_ =	shalt  }
.Lfunc_end0:
.L_simem_size_0:
called_computation_lowered:
.L_overlay_start_0:
0x88: {  	s2 =	sld [smem:$0x3FD9]  }
0x89: {  	s3 =	sld [smem:$0x3FFE];
	_ =	sdelay $0x1  }
0x8a: {  	s1 =	srdreg.scid  }
0x8b: {  	s0 =	sand.u32 $0x1, s1  }
0x8c: {  	s16 =	sshll.u32 s0, $0xA;
	s2 =	sadd.s32 s3, s2  }
0x8d: {  	s2 =	sadd.s32 s2, s16  }
0x8e: {  	[smem:$0x3FC2] =	sst s2  }
0x8f: {  	_ = 	snop  }
0x90: {  	(tm) =	ssettm $0x1  }
0x91: {  	s17 =	sld [smem:$0x3FFB];
	_ =	sdelay $0x3  }
0x92: {  	_ =	strace s17  }
0x93: {  	s2 =	sld [smem:$0x3FFC];
	_ =	sdelay $0x3  }
0x94: {  	_ =	strace s2  }
0x95: {  	s2 =	sld [smem:$0x3FFD];
	_ =	sdelay $0x3  }
0x96: {  	_ =	strace s2  }
0x97: {  	_ =	strace $0x8FFFFFFF  }
0x98: {  	s18 =	sld [smem:$0x3FDB];
	_ =	sdelay $0x1  }
0x99: {  	s19 =	simm.s32 $_scs_section_size  }
0x9a: {  	s4 =	simm.s32 $_size__tile_overlayer_lowered;
	s5 =	simm.s32 $_tile_overlayer_lowered  }
0x9b: {  	s22 =	simm.s32 $0x1BFF;
	s21 =	sshll.u32 s5, $0x1;
	s2 =	sadd.s32 s19, s18  }
0x9c: {  	s6 =	simm.s32 $0x0;
	s20 =	sshll.u32 s4, $0x1;
	s4 =	sadd.s32 s21, s2  }
0x9d: {  	[timem:s6], [sflag:s22] =	dma.local [hbm:s4], s20  }
0x9e: {  	_ =	swait.ge [sflag:s22], s20  }
0x9f: {  	s3 =	ssub.s32 $0x0, s20;
	[sflag:s22] =	ssyncset.done $0x0  }
0xa0: {  	[sflag:s22] =	ssyncadd.s32 s3;
	_ =	sdelay $0x1  }
0xa1: {  	s23 =	simm.s32 $0x1B8B  }
0xa2: {  	_ =	swait.ge [sflag:s23], $0x1  }
0xa3: {  	[sflag:s23] =	ssyncset.done $0x0  }
0xa4: {  	s25 =	simm.s32 $0x1B8E;
	s24 =	sld [smem:$0x3FFE];
	[sflag:s23] =	ssyncadd.s32 $0xFFFFFFFF  }
0xa5: {  	s26 =	simm.s32 $execute0_lowered;
	[smem:$0x3FD2] =	sst s25  }
0xa6: {  	s4 =	sshll.u32 s26, $0x1;
	_ =	strace $0x80000046;
	[dreg:$0x1] =	wrdreg $0xFFFFFFFF  }
0xa7: {  	s28 =	simm.s32 $_size_execute0_lowered;
	s2 =	sadd.s32 s2, s4;
	[dreg:$0x0] =	wrdreg $0x0  }
0xa8: {  	s4 =	sshll.u32 s28, $0x1;
	[dreg:$0x2] =	wrdreg s2  }
0xa9: {  	[dreg:$0x3] =	wrdreg s4  }
0xaa: {  	[dreg:$0x4] =	wrdreg $0xC0  }
0xab: {  	_ =	task [dreg:s6], $0x5FFFF  }
0xac: {  	[dreg:$0x1] =	wrdreg $0xFFFFFFFF  }
0xad: {  	[dreg:$0x0] =	wrdreg $0x60  }
0xae: {  	[dreg:$0x2] =	wrdreg s24  }
0xaf: {  	[dreg:$0x3] =	wrdreg $0x0  }
0xb0: {  	[dreg:$0x4] =	wrdreg $0x9  }
0xb1: {  	_ =	task.clear_ibuf [dreg:s6], $0x5FFFF;
	_ =	strace $0x90000046  }
0xb2: {  	s29 =	simm.s32 $0x9;
	_ =	strace $0x80000048  }
0xb3: {  	_ =	swait.ge [sflag:s29], $0x1  }
0xb4: {  	[sflag:s29] =	ssyncadd.s32 $0xFFFFFFFF  }
0xb5: {  	_ =	strace $0x90000048  }
0xb6: {  	_ =	sfence  }
0xb7: {  	s30 =	sld [smem:$0x0];
	_ =	sdelay $0x2  }
0xb8: {  	s31 =	sshll.u32 s1, $0xD;
	s1 =	sshrl.u32 s1, $0x2  }
0xb9: {  	s3 =	sand.u32 $0x4000, s31;
	s1 =	sadd.s32 s1, s30  }
0xba: {  	s0 =	sor.u32 s3, s0;
	s1 =	sshll.u32 s1, $0x11  }
0xbb: {  	s0 =	sor.u32 s1, s0  }
0xbc: {  	s0 =	sadd.s32 $0x8F2B, s0  }
0xbd: {  	[sflag:s0] =	ssyncadd.remote.s32 $0x1  }
0xbe: {  	_ =	sfence.sel $0xFFFF  }
0xbf: {  	[dreg:$0x0] =	wrdreg $0xFFFFFFFF;
	(pc) =	sbr.abs _section_cstart, $3  }
0xc0: {  	[dreg:$0x1] =	wrdreg $0xFFFFFFFF  }
0xc1: {  	_ =	task.clear_ibuf [dreg:s6], $0x2FFFF;
	_ =	strace $0x9FFFFFFF  }
0xc2: {  	(tm) =	ssettm $0x7FFFFFFF  }
0xc3: {  	_ =	shalt  }
tec
execute0_lowered:
.L_overlay_start_1:
0x0: {  	(tag) =	ssettag $0x1  }
0x1: {  	s0 =	rddreg [dreg:$0x0]  }
0x2: {  	s1 =	rddreg [dreg:$0x1];
	s3 =	simm.s32 $0x0  }
0x3: {  	s2 =	srdreg.scid;
	s23 =	stileid.u32;
	s18 =	simm.s32 $0x14000  }
0x4: {  	s19 =	simm.s32 $0x14100;
	s20 =	simm.s32 $0x1;
	s21 =	simm.s32 $0x40  }
0x5: {  	s22 =	simm.s32 $0x14200;
	s28 =	simm.s32 $0x4;
	s29 =	simm.s32 $0x14180  }
0x6: {  	s30 =	simm.s32 $0x0;
	[smem:$0x7FF] =	sst s3;
	s16 =	sand.u32 $0x1, s2  }
0x7: {  	s4 =	sadd.s32 $0x29400, s0;
	s8 =	smul.u32 $0x280, s23;
	s5 =	sadd.s32 $0x1B9400, s0  }
0x8: {  	s12 =	sadd.s32 $0x1200, s0;
	s9 =	smul.u32 $0x50000, s23;
	s6 =	sadd.s32 $0x1E1400, s0  }
0x9: {  	s26 =	sshll.u32 s23, $0x6;
	s31 =	sshll.u32 s23, $0xA;
	s13 =	smul.u32 $0x2400, s23  }
0xa: {  	s7 =	smul.u32 $0x2800, s16;
	_ =	strace $0x80000047;
	s24 =	ssub.s32 $0x2, s16  }
0xb: {  	p0 =	sne.s32 s16, $0x0;
	s25 =	sshrl.u32 s24, $0x1;
	s9 =	sshrl.u32 s9, $0x2  }
0xc: {  	s7 =	sadd.s32 s7, s8;
	s0 =	ssub.s32 s24, s25;
	s17 =	sadd.s32 s9, s1  }
0xd: {  	s9 =	sadd.s32 s31, s12;
	s12 =	sadd.s32 s12, s13;
	s13 =	smul.u32 $0x2800, s23  }
.Ltmp0:
0xe: {  	s8 =	sor.u32 $0x1C05, s26;
	s23 =	simm.s32 $0x2;
	(pc) =	sbr.rel .LBB2_1-.Ltmp0, $4  }
0xf: {  	s24 =	simm.s32 $0x16200;
	s25 =	simm.s32 $0x3;
	s26 =	simm.s32 $0x14080  }
0x10: {  	s7 =	sshll.u32 s7, $0x4;
	s10 =	sadd.s32 $0x24000, s9;
	s11 =	sadd.s32 $0x24020, s9  }
0x11: {  	s14 =	sadd.s32 $0x20, s12;
	s15 =	smax.u32 s0, $0x1;
	s7 =	sadd.s32 s4, s7  }
0x12: {  	s16 =	sshrl.u32 s17, $0x3;
	s17 =	simm.s32 $0x5;
	s7 =	sadd.s32 $0x140000, s7  }
.LBB2_7:
0x13: {  	[tilespmem:s19], [sflag:$0x2] =	stream.linear.gather [hbm4b:s0+s3], $0x100, $0x38;
	[tilespmem:$0x18200] =	vst v63  }
0x14: {  	s31 =	smov.u32 s6  }
.LBB2_8:
0x15: {  	_ =	swait.ge [sflag:s25], $0x2000  }
0x16: {  	[sflag:s25] =	ssyncset.done $0x0  }
0x17: {  	[sflag:s25] =	ssyncadd.s32 $0xFFFFE000  }
0x18: {  	_ =	swait.ge [sflag:s23], $0x100  }
0x19: {  	s30 =	sadd.s32 $0x1, s30;
	[sflag:s23] =	ssyncset.done $0x0  }
0x1a: {  	p1 =	sne.s32 s30, s15;
	[sflag:s23] =	ssyncadd.s32 $0xFFFFFF00  }
.Ltmp1:
0x1b: {  	s0 =	sadd.s32 s31, s13;
	[bflag:$0x0] =	sbarrier.arrive $0xFFFF;
	(pc) =	sbr.rel @!p1 .LBB2_9-.Ltmp1, $4  }
0x1c: {  	[hbm:s0], [sflag:s8] =	dma.local [spmem:s16], $0x2800  }
0x1d: {  	_ =	swait.ge [sflag:s17], $0x2800  }
0x1e: {  	[sflag:s17] =	ssyncset.done $0x0  }
0x1f: {  	[sflag:s17] =	ssyncadd.s32 $0xFFFFD800  }
.LBB2_1:
0x20: {  	[spmem:s16], [sflag:s8] =	dma.local [hbm:s7], $0x2800  }
.Ltmp2:
0x21: {  	_ =	swait.ge [sflag:s17], $0x2800;
	(pc) =	sbr.rel @p0 .LBB2_5-.Ltmp2, $3  }
0x22: {  	[sflag:s17] =	ssyncset.done $0x0  }
0x23: {  	[sflag:s17] =	ssyncadd.s32 $0xFFFFD800  }
0x24: {  	[bflag:$0x0] =	sbarrier.arrive $0xFFFF;
	_ =	sdelay $0x1  }
0x25: {  	[tilespmem:s18], [sflag:$0x1] =	stream.linear.gather [hbm4b:s12+s3], $0x100, $0x38;
	[tilespmem:$0x18200] =	vst v63  }
0x26: {  	_ = 	snop  }
0x27: {  	[tilespmem:s19], [sflag:$0x2] =	stream.linear.gather [hbm4b:s14+s3], $0x100, $0x38;
	[tilespmem:$0x18200] =	vst v63  }
0x28: {  	_ =	swait.ge [sflag:s20], $0x100  }
0x29: {  	[sflag:s20] =	ssyncset.done $0x0  }
0x2a: {  	[sflag:s20] =	ssyncadd.s32 $0xFFFFFF00  }
0x2b: {  	[tilespmem:s22], [sflag:$0x3] =	stream.indirect.gather [hbm4b:s4+s21], $0x80, s18, s21, $0xb8;
	[tilespmem:$0x18200] =	vst v63  }
0x2c: {  	_ =	swait.ge [sflag:s23], $0x100  }
0x2d: {  	[sflag:s23] =	ssyncset.done $0x0  }
0x2e: {  	[sflag:s23] =	ssyncadd.s32 $0xFFFFFF00  }
0x2f: {  	[tilespmem:s24], [sflag:$0x4] =	stream.indirect.gather [hbm4b:s4+s21], $0x80, s19, s21, $0xb8;
	[tilespmem:$0x18200] =	vst v63  }
0x30: {  	_ =	swait.ge [sflag:s25], $0x2000  }
0x31: {  	[sflag:s25] =	ssyncset.done $0x0  }
0x32: {  	[sflag:s25] =	ssyncadd.s32 $0xFFFFE000  }
0x33: {  	[spmem:s1] =	stream.indirect.scatter.add.f32 [tilespmem:s22], [sflag:$0x5], $0x80, s26, s21, $0xb8;
	[tilespmem:$0x18200] =	vst v63  }
0x34: {  	_ =	swait.ge [sflag:s17], $0x2000  }
0x35: {  	s0 =	sadd.s32 $0xFFFFDC00, s12;
	[sflag:s17] =	ssyncset.done $0x0  }
0x36: {  	s31 =	sadd.s32 $0x2440, s0;
	[sflag:s17] =	ssyncadd.s32 $0xFFFFE000  }
0x37: {  	[tilespmem:s18], [sflag:$0x1] =	stream.linear.gather [hbm4b:s31+s3], $0x100, $0x38;
	[tilespmem:$0x18200] =	vst v63  }
0x38: {  	_ =	swait.ge [sflag:s20], $0x100  }
0x39: {  	[sflag:s20] =	ssyncset.done $0x0  }
0x3a: {  	[sflag:s20] =	ssyncadd.s32 $0xFFFFFF00  }
0x3b: {  	[tilespmem:s22], [sflag:$0x3] =	stream.indirect.gather [hbm4b:s4+s21], $0x80, s18, s21, $0xb8;
	[tilespmem:$0x18200] =	vst v63  }
0x3c: {  	_ =	swait.ge [sflag:s28], $0x2000  }
0x3d: {  	[sflag:s28] =	ssyncset.done $0x0  }
0x3e: {  	[sflag:s28] =	ssyncadd.s32 $0xFFFFE000  }
0x3f: {  	[spmem:s1] =	stream.indirect.scatter.add.f32 [tilespmem:s24], [sflag:$0x5], $0x80, s29, s21, $0xb8;
	[tilespmem:$0x18200] =	vst v63  }
0x40: {  	_ =	swait.ge [sflag:s17], $0x2000  }
0x41: {  	[sflag:s17] =	ssyncset.done $0x0  }
0x42: {  	s0 =	sadd.s32 $0x2460, s0;
	s31 =	simm.s32 $0xFFFFDC40;
	[sflag:s17] =	ssyncadd.s32 $0xFFFFE000  }
.LBB2_3:
0x43: {  	[tilespmem:s19], [sflag:$0x2] =	stream.linear.gather [hbm4b:s0+s3], $0x100, $0x38;
	[tilespmem:$0x18200] =	vst v63  }
0x44: {  	s0 =	smov.u32 s31  }
0x45: {  	p1 =	seq.s32 s31, $0xFFFFFFC0;
	s31 =	sadd.s32 $0x40, s31;
	_ =	swait.ge [sflag:s23], $0x100  }
0x46: {  	[sflag:s23] =	ssyncset.done $0x0  }
0x47: {  	[sflag:s23] =	ssyncadd.s32 $0xFFFFFF00  }
0x48: {  	[tilespmem:s24], [sflag:$0x4] =	stream.indirect.gather [hbm4b:s4+s21], $0x80, s19, s21, $0xb8;
	[tilespmem:$0x18200] =	vst v63  }
0x49: {  	_ =	swait.ge [sflag:s25], $0x2000  }
0x4a: {  	[sflag:s25] =	ssyncset.done $0x0  }
0x4b: {  	[sflag:s25] =	ssyncadd.s32 $0xFFFFE000  }
0x4c: {  	[spmem:s1] =	stream.indirect.scatter.add.f32 [tilespmem:s22], [sflag:$0x5], $0x80, s26, s21, $0xb8;
	[tilespmem:$0x18200] =	vst v63  }
0x4d: {  	_ =	swait.ge [sflag:s17], $0x2000  }
0x4e: {  	s0 =	sadd.s32 s0, s12;
	[sflag:s17] =	ssyncset.done $0x0  }
0x4f: {  	s2 =	sadd.s32 $0x2440, s0;
	[sflag:s17] =	ssyncadd.s32 $0xFFFFE000  }
0x50: {  	[tilespmem:s18], [sflag:$0x1] =	stream.linear.gather [hbm4b:s2+s3], $0x100, $0x38;
	[tilespmem:$0x18200] =	vst v63  }
0x51: {  	_ =	swait.ge [sflag:s20], $0x100  }
0x52: {  	[sflag:s20] =	ssyncset.done $0x0  }
0x53: {  	[sflag:s20] =	ssyncadd.s32 $0xFFFFFF00  }
0x54: {  	[tilespmem:s22], [sflag:$0x3] =	stream.indirect.gather [hbm4b:s4+s21], $0x80, s18, s21, $0xb8;
	[tilespmem:$0x18200] =	vst v63  }
0x55: {  	_ =	swait.ge [sflag:s28], $0x2000  }
0x56: {  	[sflag:s28] =	ssyncset.done $0x0  }
.Ltmp3:
0x57: {  	[sflag:s28] =	ssyncadd.s32 $0xFFFFE000;
	(pc) =	sbr.rel @!p1 .LBB2_3-.Ltmp3, $4  }
0x58: {  	[spmem:s1] =	stream.indirect.scatter.add.f32 [tilespmem:s24], [sflag:$0x5], $0x80, s29, s21, $0xb8;
	[tilespmem:$0x18200] =	vst v63  }
0x59: {  	_ =	swait.ge [sflag:s17], $0x2000  }
0x5a: {  	[sflag:s17] =	ssyncset.done $0x0  }
0x5b: {  	s0 =	sadd.s32 $0x2460, s0;
	[sflag:s17] =	ssyncadd.s32 $0xFFFFE000  }
.Ltmp4:
0x5c: {  	(pc) =	sbr.rel .LBB2_8-.Ltmp4, $3  }
0x5d: {  	_ =	sdelay $0x1  }
0x5e: {  	[tilespmem:s19], [sflag:$0x2] =	stream.linear.gather [hbm4b:s0+s3], $0x100, $0x38;
	[tilespmem:$0x18200] =	vst v63  }
0x5f: {  	s31 =	smov.u32 s5  }
.LBB2_5:
0x60: {  	[tilespmem:s18], [sflag:$0x1] =	stream.linear.gather [hbm4b:s10+s3], $0x100, $0x38;
	[tilespmem:$0x18200] =	vst v63  }
0x61: {  	_ = 	snop  }
0x62: {  	[tilespmem:s19], [sflag:$0x2] =	stream.linear.gather [hbm4b:s11+s3], $0x100, $0x38;
	[tilespmem:$0x18200] =	vst v63  }
0x63: {  	_ =	swait.ge [sflag:s20], $0x100  }
0x64: {  	[sflag:s20] =	ssyncset.done $0x0  }
0x65: {  	[sflag:s20] =	ssyncadd.s32 $0xFFFFFF00  }
0x66: {  	[tilespmem:s22], [sflag:$0x3] =	stream.indirect.gather [hbm4b:s4+s21], $0x80, s18, s21, $0xb8;
	[tilespmem:$0x18200] =	vst v63  }
0x67: {  	_ =	swait.ge [sflag:s23], $0x100  }
0x68: {  	[sflag:s23] =	ssyncset.done $0x0  }
0x69: {  	[sflag:s23] =	ssyncadd.s32 $0xFFFFFF00  }
0x6a: {  	[tilespmem:s24], [sflag:$0x4] =	stream.indirect.gather [hbm4b:s4+s21], $0x80, s19, s21, $0xb8;
	[tilespmem:$0x18200] =	vst v63  }
0x6b: {  	_ =	swait.ge [sflag:s25], $0x2000  }
0x6c: {  	[sflag:s25] =	ssyncset.done $0x0  }
0x6d: {  	[sflag:s25] =	ssyncadd.s32 $0xFFFFE000  }
0x6e: {  	[spmem:s1] =	stream.indirect.scatter.add.f32 [tilespmem:s22], [sflag:$0x5], $0x80, s26, s21, $0xb8;
	[tilespmem:$0x18200] =	vst v63  }
0x6f: {  	_ =	swait.ge [sflag:s17], $0x2000  }
0x70: {  	s0 =	sadd.s32 $0xFFFFFC00, s9;
	[sflag:s17] =	ssyncset.done $0x0  }
0x71: {  	s2 =	sadd.s32 $0x24440, s0;
	[sflag:s17] =	ssyncadd.s32 $0xFFFFE000  }
0x72: {  	[tilespmem:s18], [sflag:$0x1] =	stream.linear.gather [hbm4b:s2+s3], $0x100, $0x38;
	[tilespmem:$0x18200] =	vst v63  }
0x73: {  	_ =	swait.ge [sflag:s20], $0x100  }
0x74: {  	[sflag:s20] =	ssyncset.done $0x0  }
0x75: {  	[sflag:s20] =	ssyncadd.s32 $0xFFFFFF00  }
0x76: {  	[tilespmem:s22], [sflag:$0x3] =	stream.indirect.gather [hbm4b:s4+s21], $0x80, s18, s21, $0xb8;
	[tilespmem:$0x18200] =	vst v63  }
0x77: {  	_ =	swait.ge [sflag:s28], $0x2000  }
0x78: {  	[sflag:s28] =	ssyncset.done $0x0  }
0x79: {  	[sflag:s28] =	ssyncadd.s32 $0xFFFFE000  }
0x7a: {  	[spmem:s1] =	stream.indirect.scatter.add.f32 [tilespmem:s24], [sflag:$0x5], $0x80, s29, s21, $0xb8;
	[tilespmem:$0x18200] =	vst v63  }
0x7b: {  	_ =	swait.ge [sflag:s17], $0x2000  }
0x7c: {  	[sflag:s17] =	ssyncset.done $0x0  }
0x7d: {  	s31 =	simm.s32 $0xFFFFFC40;
	s0 =	sadd.s32 $0x24460, s0;
	[sflag:s17] =	ssyncadd.s32 $0xFFFFE000  }
.LBB2_6:
0x7e: {  	[tilespmem:s19], [sflag:$0x2] =	stream.linear.gather [hbm4b:s0+s3], $0x100, $0x38;
	[tilespmem:$0x18200] =	vst v63  }
0x7f: {  	s0 =	smov.u32 s31  }
0x80: {  	p1 =	sne.s32 s31, $0xFFFFFFC0;
	s31 =	sadd.s32 $0x40, s31;
	_ =	swait.ge [sflag:s23], $0x100  }
0x81: {  	[sflag:s23] =	ssyncset.done $0x0  }
0x82: {  	[sflag:s23] =	ssyncadd.s32 $0xFFFFFF00  }
0x83: {  	[tilespmem:s24], [sflag:$0x4] =	stream.indirect.gather [hbm4b:s4+s21], $0x80, s19, s21, $0xb8;
	[tilespmem:$0x18200] =	vst v63  }
0x84: {  	_ =	swait.ge [sflag:s25], $0x2000  }
0x85: {  	[sflag:s25] =	ssyncset.done $0x0  }
0x86: {  	[sflag:s25] =	ssyncadd.s32 $0xFFFFE000  }
0x87: {  	[spmem:s1] =	stream.indirect.scatter.add.f32 [tilespmem:s22], [sflag:$0x5], $0x80, s26, s21, $0xb8;
	[tilespmem:$0x18200] =	vst v63  }
0x88: {  	_ =	swait.ge [sflag:s17], $0x2000  }
0x89: {  	s0 =	sadd.s32 s0, s9;
	[sflag:s17] =	ssyncset.done $0x0  }
0x8a: {  	s2 =	sadd.s32 $0x24440, s0;
	[sflag:s17] =	ssyncadd.s32 $0xFFFFE000  }
0x8b: {  	[tilespmem:s18], [sflag:$0x1] =	stream.linear.gather [hbm4b:s2+s3], $0x100, $0x38;
	[tilespmem:$0x18200] =	vst v63  }
0x8c: {  	_ =	swait.ge [sflag:s20], $0x100  }
0x8d: {  	[sflag:s20] =	ssyncset.done $0x0  }
0x8e: {  	[sflag:s20] =	ssyncadd.s32 $0xFFFFFF00  }
0x8f: {  	[tilespmem:s22], [sflag:$0x3] =	stream.indirect.gather [hbm4b:s4+s21], $0x80, s18, s21, $0xb8;
	[tilespmem:$0x18200] =	vst v63  }
0x90: {  	_ =	swait.ge [sflag:s28], $0x2000  }
0x91: {  	[sflag:s28] =	ssyncset.done $0x0  }
.Ltmp5:
0x92: {  	[sflag:s28] =	ssyncadd.s32 $0xFFFFE000;
	(pc) =	sbr.rel @p1 .LBB2_6-.Ltmp5, $4  }
0x93: {  	[spmem:s1] =	stream.indirect.scatter.add.f32 [tilespmem:s24], [sflag:$0x5], $0x80, s29, s21, $0xb8;
	[tilespmem:$0x18200] =	vst v63  }
0x94: {  	_ =	swait.ge [sflag:s17], $0x2000  }
0x95: {  	[sflag:s17] =	ssyncset.done $0x0  }
0x96: {  	s0 =	sadd.s32 $0x24460, s0;
	[sflag:s17] =	ssyncadd.s32 $0xFFFFE000  }
.Ltmp6:
0x97: {  	_ = 	snop;
	(pc) =	sbr.rel .LBB2_7-.Ltmp6, $1  }
0x98: {  	_ =	sdelay $0x3  }
.LBB2_9:
0x99: {  	_ =	sfence.sel $0x180000  }
0x9a: {  	[bflag:$0x0] =	sbarrier.arrive $0xFFFF  }
0x9b: {  	_ =	strace $0x90000047  }
0x9c: {  	s0 =	stileid.u32;
	[bflag:$0x2] =	sbarrier.arrive $0xFFFF  }
0x9d: {  	p0 =	sne.s32 s0, $0x0;
	s0 =	rddreg [dreg:$0x2]  }
0x9e: {  	s0 =	sadd.s32 @!p0 $0x100000, s0  }
0x9f: {  	[sflag:s0] =	ssyncadd.tile.s32 @!p0 $0x1;
	_ =	shalt  }
.Lfunc_end2:
_tile_overlayer_lowered:
.L_overlay_start_2:
0xa0: {  	(tag) =	ssettag $0x2  }
0xa1: {  	s0 =	rddreg [dreg:$0x0];
	s2 =	stileid.u32  }
0xa2: {  	s1 =	rddreg [dreg:$0x1];
	p0 =	sne.s32 s2, $0x0  }
0xa3: {  	s3 =	rddreg [dreg:$0x2];
	[bflag:$0x3] =	sbarrier.arrive $0xFFFF;
	s2 =	simm.s32 @!p0 $0x1C05  }
0xa4: {  	[timem:s3], [sflag:s2] =	dma.local @!p0 [hbm:s0], s1  }
0xa5: {  	s0 =	simm.s32 @!p0 $0x5  }
0xa6: {  	_ =	swait.ge @!p0 [sflag:s0], s1  }
0xa7: {  	s1 =	ssub.s32 @!p0 $0x0, s1;
	[sflag:s0] =	ssyncset.done @!p0 $0x0  }
0xa8: {  	[sflag:s0] =	ssyncadd.s32 @!p0 s1  }
0xa9: {  	[bflag:$0x3] =	sbarrier.arrive $0xFFFF  }
0xaa: {  	_ =	shalt  }

</sc_bundles>
